<compile_context>
chip_gen: v7x
topology: tpu7x:2x2x1
jax: 0.10.2.dev20260603
libtpu: 0.0.44.dev20260713+nightly
codegen_flags: <defaults>
</compile_context>

<pallas_src>
import functools
import jax
import jax.numpy as jnp
from jax import lax
from jax.experimental import pallas as pl
from jax.experimental.pallas import tpu as pltpu, tpu_sc as plsc

NC, NS, LANES = 2, 16, 16
NW = NC * NS


def _make_gather(B, N, D, L):
    total = B * L
    per_w = total // NW
    CHUNK = 400
    n_chunks = per_w // CHUNK
    NBUF = 4
    DEPTH = 3

    mesh = plsc.VectorSubcoreMesh(
        core_axis_name="c", subcore_axis_name="s",
        num_cores=NC, num_subcores=NS)

    @functools.partial(
        pl.kernel,
        out_type=jax.ShapeDtypeStruct((total, D), jnp.float32),
        mesh=mesh,
        scratch_types=[
            pltpu.VMEM((per_w,), jnp.int32),
            [pltpu.VMEM((CHUNK, D), jnp.float32) for _ in range(NBUF)],
            pltpu.SemaphoreType.DMA,
            pltpu.SemaphoreType.DMA,
        ],
        compiler_params=pltpu.CompilerParams(use_tc_tiling_on_sc=False),
    )
    def k(table_hbm, idx_hbm, out_hbm, idx_v, rows, gsem, wsem):
        wid = lax.axis_index("s") * NC + lax.axis_index("c")
        w_base = wid * per_w
        iota = lax.iota(jnp.int32, LANES)

        pltpu.sync_copy(idx_hbm.at[pl.ds(w_base, per_w)], idx_v)

        def to_global(c, carry):
            off = c * CHUNK
            b0n = ((w_base + off) // L) * N
            for i in range(CHUNK // LANES):
                lo, hi = i * LANES, i * LANES + LANES - 1
                if hi < L:
                    base = b0n
                elif lo >= L:
                    base = b0n + N
                else:
                    base = jnp.where(iota < (L - lo), b0n, b0n + N)
                s = off + i * LANES
                idx_v[pl.ds(s, LANES)] = idx_v[pl.ds(s, LANES)] + base
            return carry

        lax.fori_loop(0, n_chunks, to_global, 0)

        def fire_gather(c):
            return pltpu.async_copy(
                table_hbm.at[idx_v.at[pl.ds(c * CHUNK, CHUNK)]],
                rows[c % NBUF], gsem)

        def fire_write(c):
            return pltpu.async_copy(
                rows[c % NBUF],
                out_hbm.at[pl.ds(w_base + c * CHUNK, CHUNK)], wsem)

        gath = {}
        writes = {}
        for c in range(min(DEPTH, n_chunks)):
            gath[c] = fire_gather(c)
        for c in range(n_chunks):
            if c + DEPTH < n_chunks:
                if c >= 1:
                    writes.pop(c - 1).wait()
                gath[c + DEPTH] = fire_gather(c + DEPTH)
            gath.pop(c).wait()
            writes[c] = fire_write(c)
        for c in sorted(writes):
            writes.pop(c).wait()

    return k


def kernel(ref_table, indices):
    B, N, D = ref_table.shape
    L = indices.shape[1]
    table = ref_table.reshape(B * N, D)
    idx_flat = indices.reshape(B * L)
    out = _make_gather(B, N, D, L)(table, idx_flat)
    return out.reshape(B, L, D)

# --- scband reference (transcript-rebuilt; emitter-appended) ---
"""Pipeline reference for scband-gather-9783935500520 (READ-ONLY COPY).

The authoritative reference and input builder live on the scoring server;
editing this copy changes nothing except your own understanding.
"""

import jax, jax.numpy as jnp
import numpy as np

B, N, D, L = 1024, 1000, 64, 200

def setup_inputs(seed: int = 0) -> dict:
    key = jax.random.key(seed)
    k1, k2 = jax.random.split(key)
    reference = jax.random.normal(k1, (B, N, D), dtype=jnp.float32)
    indices = jax.random.randint(k2, (B, L), 0, N, dtype=jnp.int32)
    return {"reference": reference, "indices": indices}

def reference(reference, indices):
    # tf.gather(reference, indices, batch_dims=1): per-batch row gather
    # reference: [B, N, D], indices: [B, L] -> out: [B, L, D]
    out = jax.vmap(lambda r, i: jnp.take(r, i, axis=0))(reference, indices)
    return out

if __name__ == "__main__":
    import jax
    _d = setup_inputs()
    print(jax.jit(kernel)(*tuple(_d.values())))

</pallas_src>

<mosaic_0001>
#map = affine_map<(d0, d1) -> (0, 0)>
#map1 = affine_map<(d0, d1) -> (0)>
module attributes {stable_mosaic.version = 14 : i64} {
  func.func @k(%arg0: i32, %arg1: i32, %arg2: memref<1024000x64xf32, #tpu.memory_space<hbm>>, %arg3: memref<204800xi32, #tpu.memory_space<hbm>>, %arg4: memref<204800x64xf32, #tpu.memory_space<hbm>>, %arg5: memref<6400xi32, #tpu.memory_space<vmem>>, %arg6: memref<400x64xf32, #tpu.memory_space<vmem>>, %arg7: memref<400x64xf32, #tpu.memory_space<vmem>>, %arg8: memref<400x64xf32, #tpu.memory_space<vmem>>, %arg9: memref<400x64xf32, #tpu.memory_space<vmem>>, %arg10: memref<!tpu.dma_semaphore, #tpu.memory_space<semaphore_mem>>, %arg11: memref<!tpu.dma_semaphore, #tpu.memory_space<semaphore_mem>>) attributes {dimension_semantics = [#tpu.dimension_semantics<core_parallel>, #tpu.dimension_semantics<subcore_parallel>], iteration_bounds = array<i64: 2, 16>, scalar_prefetch = 0 : i64, scratch_operands = 7 : i64, tpu.core_type = #tpu.core_type<sc_vector_subcore>, window_params = [{transform_indices = #map}, {transform_indices = #map1}, {transform_indices = #map}]} {
    %mul3A = arith.constant 2 : i32
    %mul3A_0 = arith.muli %arg1, %mul3A : i32
    %add3A = arith.addi %mul3A_0, %arg0 : i32
    %mul3A_1 = arith.constant 6400 : i32
    %mul3A_2 = arith.muli %add3A, %mul3A_1 : i32
    %iota3A = tpu.iota {dimensions = array<i32: 0>} : vector<16xi32>
    "tpu.region"() ({
      %run_scoped3A = tpu.sem_alloc : memref<!tpu.dma_semaphore, #tpu.memory_space<semaphore_mem>>
      %dma_start3A_326 = tpu.memref_slice %arg3[%mul3A_2] : memref<204800xi32, #tpu.memory_space<hbm>> -> memref<6400xi32, #tpu.memory_space<hbm>>
      %dma_start3A_327 = tpu.memref_slice %arg3[%mul3A_2] : memref<204800xi32, #tpu.memory_space<hbm>> -> memref<6400xi32, #tpu.memory_space<hbm>>
      tpu.enqueue_dma source(%dma_start3A_327 : memref<6400xi32, #tpu.memory_space<hbm>>) target(%arg5 : memref<6400xi32, #tpu.memory_space<vmem>>) target_semaphore(%run_scoped3A : memref<!tpu.dma_semaphore, #tpu.memory_space<semaphore_mem>>)
      %dma_wait3A_328 = tpu.memref_slice %arg3[%mul3A_2] : memref<204800xi32, #tpu.memory_space<hbm>> -> memref<6400xi32, #tpu.memory_space<hbm>>
      %dma_wait3A_329 = tpu.memref_slice %arg3[%mul3A_2] : memref<204800xi32, #tpu.memory_space<hbm>> -> memref<6400xi32, #tpu.memory_space<hbm>>
      tpu.wait_dma2 semaphore(%run_scoped3A : memref<!tpu.dma_semaphore, #tpu.memory_space<semaphore_mem>>) src(%dma_wait3A_329 : memref<6400xi32, #tpu.memory_space<hbm>>) dst(%arg5 : memref<6400xi32, #tpu.memory_space<vmem>>)
      tpu.yield
    }) : () -> ()
    %scan3A = arith.constant 0 : i32
    %scan3A_3 = arith.constant 0 : i32
    %scan3A_4 = arith.constant 16 : i32
    %scan3A_5 = arith.addi %scan3A_3, %scan3A_4 : i32
    %scan3A_6 = arith.constant 1 : i32
    scf.for %scan3A_326 = %scan3A_3 to %scan3A_5 step %scan3A_6  : i32 {
      %mul3A_327 = arith.constant 400 : i32
      %mul3A_328 = arith.muli %scan3A_326, %mul3A_327 : i32
      %add3A_329 = arith.addi %mul3A_2, %mul3A_328 : i32
      %jit3A = arith.constant 200 : i32
      %div3A = arith.divsi %add3A_329, %jit3A : i32
      %sign3A = arith.constant 0 : i32
      %sign3A_330 = arith.cmpi sgt, %add3A_329, %sign3A : i32
      %sign3A_331 = arith.extui %sign3A_330 : i1 to i32
      %sign3A_332 = arith.constant 0 : i32
      %sign3A_333 = arith.cmpi slt, %add3A_329, %sign3A_332 : i32
      %sign3A_334 = arith.extui %sign3A_333 : i1 to i32
      %sign3A_335 = arith.subi %sign3A_331, %sign3A_334 : i32
      %sign3A_336 = arith.constant 0 : i32
      %sign3A_337 = arith.cmpi sgt, %jit3A, %sign3A_336 : i32
      %sign3A_338 = arith.extui %sign3A_337 : i1 to i32
      %sign3A_339 = arith.constant 0 : i32
      %sign3A_340 = arith.cmpi slt, %jit3A, %sign3A_339 : i32
      %sign3A_341 = arith.extui %sign3A_340 : i1 to i32
      %sign3A_342 = arith.subi %sign3A_338, %sign3A_341 : i32
      %ne3A = arith.cmpi ne, %sign3A_335, %sign3A_342 : i32
      %rem3A = arith.remsi %add3A_329, %jit3A : i32
      %ne3A_343 = arith.constant 0 : i32
      %ne3A_344 = arith.cmpi ne, %rem3A, %ne3A_343 : i32
      %and3A = arith.andi %ne3A, %ne3A_344 : i1
      %sub3A = arith.constant 1 : i32
      %sub3A_345 = arith.subi %div3A, %sub3A : i32
      %select_n3A = arith.select %and3A, %sub3A_345, %div3A : i32
      %mul3A_346 = arith.constant 1000 : i32
      %mul3A_347 = arith.muli %select_n3A, %mul3A_346 : i32
      %add3A_348 = arith.constant 0 : i32
      %add3A_349 = arith.addi %mul3A_328, %add3A_348 : i32
      %get3A = arith.index_cast %add3A_349 : i32 to index
      %get3A_350 = tpu.vector_load %arg5[%get3A] {strides = array<i32>} : memref<6400xi32, #tpu.memory_space<vmem>>, vector<16xi32>,
      %get3A_351 = vector.shape_cast %get3A_350 : vector<16xi32> to vector<16xi32>
      %add3A_352 = vector.broadcast %mul3A_347 : i32 to vector<16xi32>
      %add3A_353 = arith.addi %get3A_351, %add3A_352 : vector<16xi32>
      %swap3A = arith.index_cast %add3A_349 : i32 to index
      %swap3A_354 = tpu.vector_load %arg5[%swap3A] {strides = array<i32>} : memref<6400xi32, #tpu.memory_space<vmem>>, vector<16xi32>,
      %swap3A_355 = vector.shape_cast %swap3A_354 : vector<16xi32> to vector<16xi32>
      %swap3A_356 = vector.shape_cast %add3A_353 : vector<16xi32> to vector<16xi32>
      tpu.vector_store %arg5[%swap3A], %swap3A_356 {strides = array<i32>} : memref<6400xi32, #tpu.memory_space<vmem>>, vector<16xi32>,
      %add3A_357 = arith.constant 16 : i32
      %add3A_358 = arith.addi %mul3A_328, %add3A_357 : i32
      %get3A_359 = arith.index_cast %add3A_358 : i32 to index
      %get3A_360 = tpu.vector_load %arg5[%get3A_359] {strides = array<i32>} : memref<6400xi32, #tpu.memory_space<vmem>>, vector<16xi32>,
      %get3A_361 = vector.shape_cast %get3A_360 : vector<16xi32> to vector<16xi32>
      %add3A_362 = vector.broadcast %mul3A_347 : i32 to vector<16xi32>
      %add3A_363 = arith.addi %get3A_361, %add3A_362 : vector<16xi32>
      %swap3A_364 = arith.index_cast %add3A_358 : i32 to index
      %swap3A_365 = tpu.vector_load %arg5[%swap3A_364] {strides = array<i32>} : memref<6400xi32, #tpu.memory_space<vmem>>, vector<16xi32>,
      %swap3A_366 = vector.shape_cast %swap3A_365 : vector<16xi32> to vector<16xi32>
      %swap3A_367 = vector.shape_cast %add3A_363 : vector<16xi32> to vector<16xi32>
      tpu.vector_store %arg5[%swap3A_364], %swap3A_367 {strides = array<i32>} : memref<6400xi32, #tpu.memory_space<vmem>>, vector<16xi32>,
      %add3A_368 = arith.constant 32 : i32
      %add3A_369 = arith.addi %mul3A_328, %add3A_368 : i32
      %get3A_370 = arith.index_cast %add3A_369 : i32 to index
      %get3A_371 = tpu.vector_load %arg5[%get3A_370] {strides = array<i32>} : memref<6400xi32, #tpu.memory_space<vmem>>, vector<16xi32>,
      %get3A_372 = vector.shape_cast %get3A_371 : vector<16xi32> to vector<16xi32>
      %add3A_373 = vector.broadcast %mul3A_347 : i32 to vector<16xi32>
      %add3A_374 = arith.addi %get3A_372, %add3A_373 : vector<16xi32>
      %swap3A_375 = arith.index_cast %add3A_369 : i32 to index
      %swap3A_376 = tpu.vector_load %arg5[%swap3A_375] {strides = array<i32>} : memref<6400xi32, #tpu.memory_space<vmem>>, vector<16xi32>,
      %swap3A_377 = vector.shape_cast %swap3A_376 : vector<16xi32> to vector<16xi32>
      %swap3A_378 = vector.shape_cast %add3A_374 : vector<16xi32> to vector<16xi32>
      tpu.vector_store %arg5[%swap3A_375], %swap3A_378 {strides = array<i32>} : memref<6400xi32, #tpu.memory_space<vmem>>, vector<16xi32>,
      %add3A_379 = arith.constant 48 : i32
      %add3A_380 = arith.addi %mul3A_328, %add3A_379 : i32
      %get3A_381 = arith.index_cast %add3A_380 : i32 to index
      %get3A_382 = tpu.vector_load %arg5[%get3A_381] {strides = array<i32>} : memref<6400xi32, #tpu.memory_space<vmem>>, vector<16xi32>,
      %get3A_383 = vector.shape_cast %get3A_382 : vector<16xi32> to vector<16xi32>
      %add3A_384 = vector.broadcast %mul3A_347 : i32 to vector<16xi32>
      %add3A_385 = arith.addi %get3A_383, %add3A_384 : vector<16xi32>
      %swap3A_386 = arith.index_cast %add3A_380 : i32 to index
      %swap3A_387 = tpu.vector_load %arg5[%swap3A_386] {strides = array<i32>} : memref<6400xi32, #tpu.memory_space<vmem>>, vector<16xi32>,
      %swap3A_388 = vector.shape_cast %swap3A_387 : vector<16xi32> to vector<16xi32>
      %swap3A_389 = vector.shape_cast %add3A_385 : vector<16xi32> to vector<16xi32>
      tpu.vector_store %arg5[%swap3A_386], %swap3A_389 {strides = array<i32>} : memref<6400xi32, #tpu.memory_space<vmem>>, vector<16xi32>,
      %add3A_390 = arith.constant 64 : i32
      %add3A_391 = arith.addi %mul3A_328, %add3A_390 : i32
      %get3A_392 = arith.index_cast %add3A_391 : i32 to index
      %get3A_393 = tpu.vector_load %arg5[%get3A_392] {strides = array<i32>} : memref<6400xi32, #tpu.memory_space<vmem>>, vector<16xi32>,
      %get3A_394 = vector.shape_cast %get3A_393 : vector<16xi32> to vector<16xi32>
      %add3A_395 = vector.broadcast %mul3A_347 : i32 to vector<16xi32>
      %add3A_396 = arith.addi %get3A_394, %add3A_395 : vector<16xi32>
      %swap3A_397 = arith.index_cast %add3A_391 : i32 to index
      %swap3A_398 = tpu.vector_load %arg5[%swap3A_397] {strides = array<i32>} : memref<6400xi32, #tpu.memory_space<vmem>>, vector<16xi32>,
      %swap3A_399 = vector.shape_cast %swap3A_398 : vector<16xi32> to vector<16xi32>
      %swap3A_400 = vector.shape_cast %add3A_396 : vector<16xi32> to vector<16xi32>
      tpu.vector_store %arg5[%swap3A_397], %swap3A_400 {strides = array<i32>} : memref<6400xi32, #tpu.memory_space<vmem>>, vector<16xi32>,
      %add3A_401 = arith.constant 80 : i32
      %add3A_402 = arith.addi %mul3A_328, %add3A_401 : i32
      %get3A_403 = arith.index_cast %add3A_402 : i32 to index
      %get3A_404 = tpu.vector_load %arg5[%get3A_403] {strides = array<i32>} : memref<6400xi32, #tpu.memory_space<vmem>>, vector<16xi32>,
      %get3A_405 = vector.shape_cast %get3A_404 : vector<16xi32> to vector<16xi32>
      %add3A_406 = vector.broadcast %mul3A_347 : i32 to vector<16xi32>
      %add3A_407 = arith.addi %get3A_405, %add3A_406 : vector<16xi32>
      %swap3A_408 = arith.index_cast %add3A_402 : i32 to index
      %swap3A_409 = tpu.vector_load %arg5[%swap3A_408] {strides = array<i32>} : memref<6400xi32, #tpu.memory_space<vmem>>, vector<16xi32>,
      %swap3A_410 = vector.shape_cast %swap3A_409 : vector<16xi32> to vector<16xi32>
      %swap3A_411 = vector.shape_cast %add3A_407 : vector<16xi32> to vector<16xi32>
      tpu.vector_store %arg5[%swap3A_408], %swap3A_411 {strides = array<i32>} : memref<6400xi32, #tpu.memory_space<vmem>>, vector<16xi32>,
      %add3A_412 = arith.constant 96 : i32
      %add3A_413 = arith.addi %mul3A_328, %add3A_412 : i32
      %get3A_414 = arith.index_cast %add3A_413 : i32 to index
      %get3A_415 = tpu.vector_load %arg5[%get3A_414] {strides = array<i32>} : memref<6400xi32, #tpu.memory_space<vmem>>, vector<16xi32>,
      %get3A_416 = vector.shape_cast %get3A_415 : vector<16xi32> to vector<16xi32>
      %add3A_417 = vector.broadcast %mul3A_347 : i32 to vector<16xi32>
      %add3A_418 = arith.addi %get3A_416, %add3A_417 : vector<16xi32>
      %swap3A_419 = arith.index_cast %add3A_413 : i32 to index
      %swap3A_420 = tpu.vector_load %arg5[%swap3A_419] {strides = array<i32>} : memref<6400xi32, #tpu.memory_space<vmem>>, vector<16xi32>,
      %swap3A_421 = vector.shape_cast %swap3A_420 : vector<16xi32> to vector<16xi32>
      %swap3A_422 = vector.shape_cast %add3A_418 : vector<16xi32> to vector<16xi32>
      tpu.vector_store %arg5[%swap3A_419], %swap3A_422 {strides = array<i32>} : memref<6400xi32, #tpu.memory_space<vmem>>, vector<16xi32>,
      %add3A_423 = arith.constant 112 : i32
      %add3A_424 = arith.addi %mul3A_328, %add3A_423 : i32
      %get3A_425 = arith.index_cast %add3A_424 : i32 to index
      %get3A_426 = tpu.vector_load %arg5[%get3A_425] {strides = array<i32>} : memref<6400xi32, #tpu.memory_space<vmem>>, vector<16xi32>,
      %get3A_427 = vector.shape_cast %get3A_426 : vector<16xi32> to vector<16xi32>
      %add3A_428 = vector.broadcast %mul3A_347 : i32 to vector<16xi32>
      %add3A_429 = arith.addi %get3A_427, %add3A_428 : vector<16xi32>
      %swap3A_430 = arith.index_cast %add3A_424 : i32 to index
      %swap3A_431 = tpu.vector_load %arg5[%swap3A_430] {strides = array<i32>} : memref<6400xi32, #tpu.memory_space<vmem>>, vector<16xi32>,
      %swap3A_432 = vector.shape_cast %swap3A_431 : vector<16xi32> to vector<16xi32>
      %swap3A_433 = vector.shape_cast %add3A_429 : vector<16xi32> to vector<16xi32>
      tpu.vector_store %arg5[%swap3A_430], %swap3A_433 {strides = array<i32>} : memref<6400xi32, #tpu.memory_space<vmem>>, vector<16xi32>,
      %add3A_434 = arith.constant 128 : i32
      %add3A_435 = arith.addi %mul3A_328, %add3A_434 : i32
      %get3A_436 = arith.index_cast %add3A_435 : i32 to index
      %get3A_437 = tpu.vector_load %arg5[%get3A_436] {strides = array<i32>} : memref<6400xi32, #tpu.memory_space<vmem>>, vector<16xi32>,
      %get3A_438 = vector.shape_cast %get3A_437 : vector<16xi32> to vector<16xi32>
      %add3A_439 = vector.broadcast %mul3A_347 : i32 to vector<16xi32>
      %add3A_440 = arith.addi %get3A_438, %add3A_439 : vector<16xi32>
      %swap3A_441 = arith.index_cast %add3A_435 : i32 to index
      %swap3A_442 = tpu.vector_load %arg5[%swap3A_441] {strides = array<i32>} : memref<6400xi32, #tpu.memory_space<vmem>>, vector<16xi32>,
      %swap3A_443 = vector.shape_cast %swap3A_442 : vector<16xi32> to vector<16xi32>
      %swap3A_444 = vector.shape_cast %add3A_440 : vector<16xi32> to vector<16xi32>
      tpu.vector_store %arg5[%swap3A_441], %swap3A_444 {strides = array<i32>} : memref<6400xi32, #tpu.memory_space<vmem>>, vector<16xi32>,
      %add3A_445 = arith.constant 144 : i32
      %add3A_446 = arith.addi %mul3A_328, %add3A_445 : i32
      %get3A_447 = arith.index_cast %add3A_446 : i32 to index
      %get3A_448 = tpu.vector_load %arg5[%get3A_447] {strides = array<i32>} : memref<6400xi32, #tpu.memory_space<vmem>>, vector<16xi32>,
      %get3A_449 = vector.shape_cast %get3A_448 : vector<16xi32> to vector<16xi32>
      %add3A_450 = vector.broadcast %mul3A_347 : i32 to vector<16xi32>
      %add3A_451 = arith.addi %get3A_449, %add3A_450 : vector<16xi32>
      %swap3A_452 = arith.index_cast %add3A_446 : i32 to index
      %swap3A_453 = tpu.vector_load %arg5[%swap3A_452] {strides = array<i32>} : memref<6400xi32, #tpu.memory_space<vmem>>, vector<16xi32>,
      %swap3A_454 = vector.shape_cast %swap3A_453 : vector<16xi32> to vector<16xi32>
      %swap3A_455 = vector.shape_cast %add3A_451 : vector<16xi32> to vector<16xi32>
      tpu.vector_store %arg5[%swap3A_452], %swap3A_455 {strides = array<i32>} : memref<6400xi32, #tpu.memory_space<vmem>>, vector<16xi32>,
      %add3A_456 = arith.constant 160 : i32
      %add3A_457 = arith.addi %mul3A_328, %add3A_456 : i32
      %get3A_458 = arith.index_cast %add3A_457 : i32 to index
      %get3A_459 = tpu.vector_load %arg5[%get3A_458] {strides = array<i32>} : memref<6400xi32, #tpu.memory_space<vmem>>, vector<16xi32>,
      %get3A_460 = vector.shape_cast %get3A_459 : vector<16xi32> to vector<16xi32>
      %add3A_461 = vector.broadcast %mul3A_347 : i32 to vector<16xi32>
      %add3A_462 = arith.addi %get3A_460, %add3A_461 : vector<16xi32>
      %swap3A_463 = arith.index_cast %add3A_457 : i32 to index
      %swap3A_464 = tpu.vector_load %arg5[%swap3A_463] {strides = array<i32>} : memref<6400xi32, #tpu.memory_space<vmem>>, vector<16xi32>,
      %swap3A_465 = vector.shape_cast %swap3A_464 : vector<16xi32> to vector<16xi32>
      %swap3A_466 = vector.shape_cast %add3A_462 : vector<16xi32> to vector<16xi32>
      tpu.vector_store %arg5[%swap3A_463], %swap3A_466 {strides = array<i32>} : memref<6400xi32, #tpu.memory_space<vmem>>, vector<16xi32>,
      %add3A_467 = arith.constant 176 : i32
      %add3A_468 = arith.addi %mul3A_328, %add3A_467 : i32
      %get3A_469 = arith.index_cast %add3A_468 : i32 to index
      %get3A_470 = tpu.vector_load %arg5[%get3A_469] {strides = array<i32>} : memref<6400xi32, #tpu.memory_space<vmem>>, vector<16xi32>,
      %get3A_471 = vector.shape_cast %get3A_470 : vector<16xi32> to vector<16xi32>
      %add3A_472 = vector.broadcast %mul3A_347 : i32 to vector<16xi32>
      %add3A_473 = arith.addi %get3A_471, %add3A_472 : vector<16xi32>
      %swap3A_474 = arith.index_cast %add3A_468 : i32 to index
      %swap3A_475 = tpu.vector_load %arg5[%swap3A_474] {strides = array<i32>} : memref<6400xi32, #tpu.memory_space<vmem>>, vector<16xi32>,
      %swap3A_476 = vector.shape_cast %swap3A_475 : vector<16xi32> to vector<16xi32>
      %swap3A_477 = vector.shape_cast %add3A_473 : vector<16xi32> to vector<16xi32>
      tpu.vector_store %arg5[%swap3A_474], %swap3A_477 {strides = array<i32>} : memref<6400xi32, #tpu.memory_space<vmem>>, vector<16xi32>,
      %lt3A = arith.constant 8 : i32
      %lt3A_478 = vector.broadcast %lt3A : i32 to vector<16xi32>
      %lt3A_479 = arith.cmpi slt, %iota3A, %lt3A_478 : vector<16xi32>
      %add3A_480 = arith.constant 1000 : i32
      %add3A_481 = arith.addi %mul3A_347, %add3A_480 : i32
      %broadcast_in_dim3A = vector.broadcast %mul3A_347 : i32 to vector<16xi32>
      %broadcast_in_dim3A_482 = vector.broadcast %add3A_481 : i32 to vector<16xi32>
      %select_n3A_483 = arith.select %lt3A_479, %broadcast_in_dim3A, %broadcast_in_dim3A_482 : vector<16xi1>, vector<16xi32>
      %add3A_484 = arith.constant 192 : i32
      %add3A_485 = arith.addi %mul3A_328, %add3A_484 : i32
      %get3A_486 = arith.index_cast %add3A_485 : i32 to index
      %get3A_487 = tpu.vector_load %arg5[%get3A_486] {strides = array<i32>} : memref<6400xi32, #tpu.memory_space<vmem>>, vector<16xi32>,
      %get3A_488 = vector.shape_cast %get3A_487 : vector<16xi32> to vector<16xi32>
      %add3A_489 = arith.addi %get3A_488, %select_n3A_483 : vector<16xi32>
      %swap3A_490 = arith.index_cast %add3A_485 : i32 to index
      %swap3A_491 = tpu.vector_load %arg5[%swap3A_490] {strides = array<i32>} : memref<6400xi32, #tpu.memory_space<vmem>>, vector<16xi32>,
      %swap3A_492 = vector.shape_cast %swap3A_491 : vector<16xi32> to vector<16xi32>
      %swap3A_493 = vector.shape_cast %add3A_489 : vector<16xi32> to vector<16xi32>
      tpu.vector_store %arg5[%swap3A_490], %swap3A_493 {strides = array<i32>} : memref<6400xi32, #tpu.memory_space<vmem>>, vector<16xi32>,
      %add3A_494 = arith.constant 1000 : i32
      %add3A_495 = arith.addi %mul3A_347, %add3A_494 : i32
      %add3A_496 = arith.constant 208 : i32
      %add3A_497 = arith.addi %mul3A_328, %add3A_496 : i32
      %get3A_498 = arith.index_cast %add3A_497 : i32 to index
      %get3A_499 = tpu.vector_load %arg5[%get3A_498] {strides = array<i32>} : memref<6400xi32, #tpu.memory_space<vmem>>, vector<16xi32>,
      %get3A_500 = vector.shape_cast %get3A_499 : vector<16xi32> to vector<16xi32>
      %add3A_501 = vector.broadcast %add3A_495 : i32 to vector<16xi32>
      %add3A_502 = arith.addi %get3A_500, %add3A_501 : vector<16xi32>
      %swap3A_503 = arith.index_cast %add3A_497 : i32 to index
      %swap3A_504 = tpu.vector_load %arg5[%swap3A_503] {strides = array<i32>} : memref<6400xi32, #tpu.memory_space<vmem>>, vector<16xi32>,
      %swap3A_505 = vector.shape_cast %swap3A_504 : vector<16xi32> to vector<16xi32>
      %swap3A_506 = vector.shape_cast %add3A_502 : vector<16xi32> to vector<16xi32>
      tpu.vector_store %arg5[%swap3A_503], %swap3A_506 {strides = array<i32>} : memref<6400xi32, #tpu.memory_space<vmem>>, vector<16xi32>,
      %add3A_507 = arith.constant 1000 : i32
      %add3A_508 = arith.addi %mul3A_347, %add3A_507 : i32
      %add3A_509 = arith.constant 224 : i32
      %add3A_510 = arith.addi %mul3A_328, %add3A_509 : i32
      %get3A_511 = arith.index_cast %add3A_510 : i32 to index
      %get3A_512 = tpu.vector_load %arg5[%get3A_511] {strides = array<i32>} : memref<6400xi32, #tpu.memory_space<vmem>>, vector<16xi32>,
      %get3A_513 = vector.shape_cast %get3A_512 : vector<16xi32> to vector<16xi32>
      %add3A_514 = vector.broadcast %add3A_508 : i32 to vector<16xi32>
      %add3A_515 = arith.addi %get3A_513, %add3A_514 : vector<16xi32>
      %swap3A_516 = arith.index_cast %add3A_510 : i32 to index
      %swap3A_517 = tpu.vector_load %arg5[%swap3A_516] {strides = array<i32>} : memref<6400xi32, #tpu.memory_space<vmem>>, vector<16xi32>,
      %swap3A_518 = vector.shape_cast %swap3A_517 : vector<16xi32> to vector<16xi32>
      %swap3A_519 = vector.shape_cast %add3A_515 : vector<16xi32> to vector<16xi32>
      tpu.vector_store %arg5[%swap3A_516], %swap3A_519 {strides = array<i32>} : memref<6400xi32, #tpu.memory_space<vmem>>, vector<16xi32>,
      %add3A_520 = arith.constant 1000 : i32
      %add3A_521 = arith.addi %mul3A_347, %add3A_520 : i32
      %add3A_522 = arith.constant 240 : i32
      %add3A_523 = arith.addi %mul3A_328, %add3A_522 : i32
      %get3A_524 = arith.index_cast %add3A_523 : i32 to index
      %get3A_525 = tpu.vector_load %arg5[%get3A_524] {strides = array<i32>} : memref<6400xi32, #tpu.memory_space<vmem>>, vector<16xi32>,
      %get3A_526 = vector.shape_cast %get3A_525 : vector<16xi32> to vector<16xi32>
      %add3A_527 = vector.broadcast %add3A_521 : i32 to vector<16xi32>
      %add3A_528 = arith.addi %get3A_526, %add3A_527 : vector<16xi32>
      %swap3A_529 = arith.index_cast %add3A_523 : i32 to index
      %swap3A_530 = tpu.vector_load %arg5[%swap3A_529] {strides = array<i32>} : memref<6400xi32, #tpu.memory_space<vmem>>, vector<16xi32>,
      %swap3A_531 = vector.shape_cast %swap3A_530 : vector<16xi32> to vector<16xi32>
      %swap3A_532 = vector.shape_cast %add3A_528 : vector<16xi32> to vector<16xi32>
      tpu.vector_store %arg5[%swap3A_529], %swap3A_532 {strides = array<i32>} : memref<6400xi32, #tpu.memory_space<vmem>>, vector<16xi32>,
      %add3A_533 = arith.constant 1000 : i32
      %add3A_534 = arith.addi %mul3A_347, %add3A_533 : i32
      %add3A_535 = arith.constant 256 : i32
      %add3A_536 = arith.addi %mul3A_328, %add3A_535 : i32
      %get3A_537 = arith.index_cast %add3A_536 : i32 to index
      %get3A_538 = tpu.vector_load %arg5[%get3A_537] {strides = array<i32>} : memref<6400xi32, #tpu.memory_space<vmem>>, vector<16xi32>,
      %get3A_539 = vector.shape_cast %get3A_538 : vector<16xi32> to vector<16xi32>
      %add3A_540 = vector.broadcast %add3A_534 : i32 to vector<16xi32>
      %add3A_541 = arith.addi %get3A_539, %add3A_540 : vector<16xi32>
      %swap3A_542 = arith.index_cast %add3A_536 : i32 to index
      %swap3A_543 = tpu.vector_load %arg5[%swap3A_542] {strides = array<i32>} : memref<6400xi32, #tpu.memory_space<vmem>>, vector<16xi32>,
      %swap3A_544 = vector.shape_cast %swap3A_543 : vector<16xi32> to vector<16xi32>
      %swap3A_545 = vector.shape_cast %add3A_541 : vector<16xi32> to vector<16xi32>
      tpu.vector_store %arg5[%swap3A_542], %swap3A_545 {strides = array<i32>} : memref<6400xi32, #tpu.memory_space<vmem>>, vector<16xi32>,
      %add3A_546 = arith.constant 1000 : i32
      %add3A_547 = arith.addi %mul3A_347, %add3A_546 : i32
      %add3A_548 = arith.constant 272 : i32
      %add3A_549 = arith.addi %mul3A_328, %add3A_548 : i32
      %get3A_550 = arith.index_cast %add3A_549 : i32 to index
      %get3A_551 = tpu.vector_load %arg5[%get3A_550] {strides = array<i32>} : memref<6400xi32, #tpu.memory_space<vmem>>, vector<16xi32>,
      %get3A_552 = vector.shape_cast %get3A_551 : vector<16xi32> to vector<16xi32>
      %add3A_553 = vector.broadcast %add3A_547 : i32 to vector<16xi32>
      %add3A_554 = arith.addi %get3A_552, %add3A_553 : vector<16xi32>
      %swap3A_555 = arith.index_cast %add3A_549 : i32 to index
      %swap3A_556 = tpu.vector_load %arg5[%swap3A_555] {strides = array<i32>} : memref<6400xi32, #tpu.memory_space<vmem>>, vector<16xi32>,
      %swap3A_557 = vector.shape_cast %swap3A_556 : vector<16xi32> to vector<16xi32>
      %swap3A_558 = vector.shape_cast %add3A_554 : vector<16xi32> to vector<16xi32>
      tpu.vector_store %arg5[%swap3A_555], %swap3A_558 {strides = array<i32>} : memref<6400xi32, #tpu.memory_space<vmem>>, vector<16xi32>,
      %add3A_559 = arith.constant 1000 : i32
      %add3A_560 = arith.addi %mul3A_347, %add3A_559 : i32
      %add3A_561 = arith.constant 288 : i32
      %add3A_562 = arith.addi %mul3A_328, %add3A_561 : i32
      %get3A_563 = arith.index_cast %add3A_562 : i32 to index
      %get3A_564 = tpu.vector_load %arg5[%get3A_563] {strides = array<i32>} : memref<6400xi32, #tpu.memory_space<vmem>>, vector<16xi32>,
      %get3A_565 = vector.shape_cast %get3A_564 : vector<16xi32> to vector<16xi32>
      %add3A_566 = vector.broadcast %add3A_560 : i32 to vector<16xi32>
      %add3A_567 = arith.addi %get3A_565, %add3A_566 : vector<16xi32>
      %swap3A_568 = arith.index_cast %add3A_562 : i32 to index
      %swap3A_569 = tpu.vector_load %arg5[%swap3A_568] {strides = array<i32>} : memref<6400xi32, #tpu.memory_space<vmem>>, vector<16xi32>,
      %swap3A_570 = vector.shape_cast %swap3A_569 : vector<16xi32> to vector<16xi32>
      %swap3A_571 = vector.shape_cast %add3A_567 : vector<16xi32> to vector<16xi32>
      tpu.vector_store %arg5[%swap3A_568], %swap3A_571 {strides = array<i32>} : memref<6400xi32, #tpu.memory_space<vmem>>, vector<16xi32>,
      %add3A_572 = arith.constant 1000 : i32
      %add3A_573 = arith.addi %mul3A_347, %add3A_572 : i32
      %add3A_574 = arith.constant 304 : i32
      %add3A_575 = arith.addi %mul3A_328, %add3A_574 : i32
      %get3A_576 = arith.index_cast %add3A_575 : i32 to index
      %get3A_577 = tpu.vector_load %arg5[%get3A_576] {strides = array<i32>} : memref<6400xi32, #tpu.memory_space<vmem>>, vector<16xi32>,
      %get3A_578 = vector.shape_cast %get3A_577 : vector<16xi32> to vector<16xi32>
      %add3A_579 = vector.broadcast %add3A_573 : i32 to vector<16xi32>
      %add3A_580 = arith.addi %get3A_578, %add3A_579 : vector<16xi32>
      %swap3A_581 = arith.index_cast %add3A_575 : i32 to index
      %swap3A_582 = tpu.vector_load %arg5[%swap3A_581] {strides = array<i32>} : memref<6400xi32, #tpu.memory_space<vmem>>, vector<16xi32>,
      %swap3A_583 = vector.shape_cast %swap3A_582 : vector<16xi32> to vector<16xi32>
      %swap3A_584 = vector.shape_cast %add3A_580 : vector<16xi32> to vector<16xi32>
      tpu.vector_store %arg5[%swap3A_581], %swap3A_584 {strides = array<i32>} : memref<6400xi32, #tpu.memory_space<vmem>>, vector<16xi32>,
      %add3A_585 = arith.constant 1000 : i32
      %add3A_586 = arith.addi %mul3A_347, %add3A_585 : i32
      %add3A_587 = arith.constant 320 : i32
      %add3A_588 = arith.addi %mul3A_328, %add3A_587 : i32
      %get3A_589 = arith.index_cast %add3A_588 : i32 to index
      %get3A_590 = tpu.vector_load %arg5[%get3A_589] {strides = array<i32>} : memref<6400xi32, #tpu.memory_space<vmem>>, vector<16xi32>,
      %get3A_591 = vector.shape_cast %get3A_590 : vector<16xi32> to vector<16xi32>
      %add3A_592 = vector.broadcast %add3A_586 : i32 to vector<16xi32>
      %add3A_593 = arith.addi %get3A_591, %add3A_592 : vector<16xi32>
      %swap3A_594 = arith.index_cast %add3A_588 : i32 to index
      %swap3A_595 = tpu.vector_load %arg5[%swap3A_594] {strides = array<i32>} : memref<6400xi32, #tpu.memory_space<vmem>>, vector<16xi32>,
      %swap3A_596 = vector.shape_cast %swap3A_595 : vector<16xi32> to vector<16xi32>
      %swap3A_597 = vector.shape_cast %add3A_593 : vector<16xi32> to vector<16xi32>
      tpu.vector_store %arg5[%swap3A_594], %swap3A_597 {strides = array<i32>} : memref<6400xi32, #tpu.memory_space<vmem>>, vector<16xi32>,
      %add3A_598 = arith.constant 1000 : i32
      %add3A_599 = arith.addi %mul3A_347, %add3A_598 : i32
      %add3A_600 = arith.constant 336 : i32
      %add3A_601 = arith.addi %mul3A_328, %add3A_600 : i32
      %get3A_602 = arith.index_cast %add3A_601 : i32 to index
      %get3A_603 = tpu.vector_load %arg5[%get3A_602] {strides = array<i32>} : memref<6400xi32, #tpu.memory_space<vmem>>, vector<16xi32>,
      %get3A_604 = vector.shape_cast %get3A_603 : vector<16xi32> to vector<16xi32>
      %add3A_605 = vector.broadcast %add3A_599 : i32 to vector<16xi32>
      %add3A_606 = arith.addi %get3A_604, %add3A_605 : vector<16xi32>
      %swap3A_607 = arith.index_cast %add3A_601 : i32 to index
      %swap3A_608 = tpu.vector_load %arg5[%swap3A_607] {strides = array<i32>} : memref<6400xi32, #tpu.memory_space<vmem>>, vector<16xi32>,
      %swap3A_609 = vector.shape_cast %swap3A_608 : vector<16xi32> to vector<16xi32>
      %swap3A_610 = vector.shape_cast %add3A_606 : vector<16xi32> to vector<16xi32>
      tpu.vector_store %arg5[%swap3A_607], %swap3A_610 {strides = array<i32>} : memref<6400xi32, #tpu.memory_space<vmem>>, vector<16xi32>,
      %add3A_611 = arith.constant 1000 : i32
      %add3A_612 = arith.addi %mul3A_347, %add3A_611 : i32
      %add3A_613 = arith.constant 352 : i32
      %add3A_614 = arith.addi %mul3A_328, %add3A_613 : i32
      %get3A_615 = arith.index_cast %add3A_614 : i32 to index
      %get3A_616 = tpu.vector_load %arg5[%get3A_615] {strides = array<i32>} : memref<6400xi32, #tpu.memory_space<vmem>>, vector<16xi32>,
      %get3A_617 = vector.shape_cast %get3A_616 : vector<16xi32> to vector<16xi32>
      %add3A_618 = vector.broadcast %add3A_612 : i32 to vector<16xi32>
      %add3A_619 = arith.addi %get3A_617, %add3A_618 : vector<16xi32>
      %swap3A_620 = arith.index_cast %add3A_614 : i32 to index
      %swap3A_621 = tpu.vector_load %arg5[%swap3A_620] {strides = array<i32>} : memref<6400xi32, #tpu.memory_space<vmem>>, vector<16xi32>,
      %swap3A_622 = vector.shape_cast %swap3A_621 : vector<16xi32> to vector<16xi32>
      %swap3A_623 = vector.shape_cast %add3A_619 : vector<16xi32> to vector<16xi32>
      tpu.vector_store %arg5[%swap3A_620], %swap3A_623 {strides = array<i32>} : memref<6400xi32, #tpu.memory_space<vmem>>, vector<16xi32>,
      %add3A_624 = arith.constant 1000 : i32
      %add3A_625 = arith.addi %mul3A_347, %add3A_624 : i32
      %add3A_626 = arith.constant 368 : i32
      %add3A_627 = arith.addi %mul3A_328, %add3A_626 : i32
      %get3A_628 = arith.index_cast %add3A_627 : i32 to index
      %get3A_629 = tpu.vector_load %arg5[%get3A_628] {strides = array<i32>} : memref<6400xi32, #tpu.memory_space<vmem>>, vector<16xi32>,
      %get3A_630 = vector.shape_cast %get3A_629 : vector<16xi32> to vector<16xi32>
      %add3A_631 = vector.broadcast %add3A_625 : i32 to vector<16xi32>
      %add3A_632 = arith.addi %get3A_630, %add3A_631 : vector<16xi32>
      %swap3A_633 = arith.index_cast %add3A_627 : i32 to index
      %swap3A_634 = tpu.vector_load %arg5[%swap3A_633] {strides = array<i32>} : memref<6400xi32, #tpu.memory_space<vmem>>, vector<16xi32>,
      %swap3A_635 = vector.shape_cast %swap3A_634 : vector<16xi32> to vector<16xi32>
      %swap3A_636 = vector.shape_cast %add3A_632 : vector<16xi32> to vector<16xi32>
      tpu.vector_store %arg5[%swap3A_633], %swap3A_636 {strides = array<i32>} : memref<6400xi32, #tpu.memory_space<vmem>>, vector<16xi32>,
      %add3A_637 = arith.constant 1000 : i32
      %add3A_638 = arith.addi %mul3A_347, %add3A_637 : i32
      %add3A_639 = arith.constant 384 : i32
      %add3A_640 = arith.addi %mul3A_328, %add3A_639 : i32
      %get3A_641 = arith.index_cast %add3A_640 : i32 to index
      %get3A_642 = tpu.vector_load %arg5[%get3A_641] {strides = array<i32>} : memref<6400xi32, #tpu.memory_space<vmem>>, vector<16xi32>,
      %get3A_643 = vector.shape_cast %get3A_642 : vector<16xi32> to vector<16xi32>
      %add3A_644 = vector.broadcast %add3A_638 : i32 to vector<16xi32>
      %add3A_645 = arith.addi %get3A_643, %add3A_644 : vector<16xi32>
      %swap3A_646 = arith.index_cast %add3A_640 : i32 to index
      %swap3A_647 = tpu.vector_load %arg5[%swap3A_646] {strides = array<i32>} : memref<6400xi32, #tpu.memory_space<vmem>>, vector<16xi32>,
      %swap3A_648 = vector.shape_cast %swap3A_647 : vector<16xi32> to vector<16xi32>
      %swap3A_649 = vector.shape_cast %add3A_645 : vector<16xi32> to vector<16xi32>
      tpu.vector_store %arg5[%swap3A_646], %swap3A_649 {strides = array<i32>} : memref<6400xi32, #tpu.memory_space<vmem>>, vector<16xi32>,
    }
    %scan3A_7 = arith.constant 16 : i32
    %dma_start3A = arith.constant 0 : i32
    %dma_start3A_8 = tpu.memref_slice %arg5[%dma_start3A] : memref<6400xi32, #tpu.memory_space<vmem>> -> memref<400xi32, #tpu.memory_space<vmem>>
    %dma_start3A_9 = arith.constant 0 : i32
    %dma_start3A_10 = arith.constant 0 : i32
    %dma_start3A_11 = tpu.memref_slice %arg2[%dma_start3A_9, %dma_start3A_10] : memref<1024000x64xf32, #tpu.memory_space<hbm>> -> memref<1024000x64xf32, #tpu.memory_space<hbm>>
    tpu.enqueue_indirect_dma source(%dma_start3A_11 : memref<1024000x64xf32, #tpu.memory_space<hbm>>) target(%arg6 : memref<400x64xf32, #tpu.memory_space<vmem>>) offsets(%dma_start3A_8 : memref<400xi32, #tpu.memory_space<vmem>>) semaphore(%arg10 : memref<!tpu.dma_semaphore, #tpu.memory_space<semaphore_mem>>)
    %dma_start3A_12 = arith.constant 400 : i32
    %dma_start3A_13 = tpu.memref_slice %arg5[%dma_start3A_12] : memref<6400xi32, #tpu.memory_space<vmem>> -> memref<400xi32, #tpu.memory_space<vmem>>
    %dma_start3A_14 = arith.constant 0 : i32
    %dma_start3A_15 = arith.constant 0 : i32
    %dma_start3A_16 = tpu.memref_slice %arg2[%dma_start3A_14, %dma_start3A_15] : memref<1024000x64xf32, #tpu.memory_space<hbm>> -> memref<1024000x64xf32, #tpu.memory_space<hbm>>
    tpu.enqueue_indirect_dma source(%dma_start3A_16 : memref<1024000x64xf32, #tpu.memory_space<hbm>>) target(%arg7 : memref<400x64xf32, #tpu.memory_space<vmem>>) offsets(%dma_start3A_13 : memref<400xi32, #tpu.memory_space<vmem>>) semaphore(%arg10 : memref<!tpu.dma_semaphore, #tpu.memory_space<semaphore_mem>>)
    %dma_start3A_17 = arith.constant 800 : i32
    %dma_start3A_18 = tpu.memref_slice %arg5[%dma_start3A_17] : memref<6400xi32, #tpu.memory_space<vmem>> -> memref<400xi32, #tpu.memory_space<vmem>>
    %dma_start3A_19 = arith.constant 0 : i32
    %dma_start3A_20 = arith.constant 0 : i32
    %dma_start3A_21 = tpu.memref_slice %arg2[%dma_start3A_19, %dma_start3A_20] : memref<1024000x64xf32, #tpu.memory_space<hbm>> -> memref<1024000x64xf32, #tpu.memory_space<hbm>>
    tpu.enqueue_indirect_dma source(%dma_start3A_21 : memref<1024000x64xf32, #tpu.memory_space<hbm>>) target(%arg8 : memref<400x64xf32, #tpu.memory_space<vmem>>) offsets(%dma_start3A_18 : memref<400xi32, #tpu.memory_space<vmem>>) semaphore(%arg10 : memref<!tpu.dma_semaphore, #tpu.memory_space<semaphore_mem>>)
    %dma_start3A_22 = arith.constant 1200 : i32
    %dma_start3A_23 = tpu.memref_slice %arg5[%dma_start3A_22] : memref<6400xi32, #tpu.memory_space<vmem>> -> memref<400xi32, #tpu.memory_space<vmem>>
    %dma_start3A_24 = arith.constant 0 : i32
    %dma_start3A_25 = arith.constant 0 : i32
    %dma_start3A_26 = tpu.memref_slice %arg2[%dma_start3A_24, %dma_start3A_25] : memref<1024000x64xf32, #tpu.memory_space<hbm>> -> memref<1024000x64xf32, #tpu.memory_space<hbm>>
    tpu.enqueue_indirect_dma source(%dma_start3A_26 : memref<1024000x64xf32, #tpu.memory_space<hbm>>) target(%arg9 : memref<400x64xf32, #tpu.memory_space<vmem>>) offsets(%dma_start3A_23 : memref<400xi32, #tpu.memory_space<vmem>>) semaphore(%arg10 : memref<!tpu.dma_semaphore, #tpu.memory_space<semaphore_mem>>)
    %dma_wait3A = arith.constant 0 : i32
    %dma_wait3A_27 = tpu.memref_slice %arg5[%dma_wait3A] : memref<6400xi32, #tpu.memory_space<vmem>> -> memref<400xi32, #tpu.memory_space<vmem>>
    %dma_wait3A_28 = arith.constant 0 : i32
    %dma_wait3A_29 = arith.constant 0 : i32
    %dma_wait3A_30 = tpu.memref_slice %arg2[%dma_wait3A_28, %dma_wait3A_29] : memref<1024000x64xf32, #tpu.memory_space<hbm>> -> memref<1024000x64xf32, #tpu.memory_space<hbm>>
    tpu.wait_indirect_dma semaphore(%arg10 : memref<!tpu.dma_semaphore, #tpu.memory_space<semaphore_mem>>) src(%dma_wait3A_30 : memref<1024000x64xf32, #tpu.memory_space<hbm>>) dst(%arg6 : memref<400x64xf32, #tpu.memory_space<vmem>>)
    %add3A_31 = arith.constant 0 : i32
    %add3A_32 = arith.addi %mul3A_2, %add3A_31 : i32
    %dma_start3A_33 = arith.constant 0 : i32
    %dma_start3A_34 = tpu.memref_slice %arg4[%add3A_32, %dma_start3A_33] : memref<204800x64xf32, #tpu.memory_space<hbm>> -> memref<400x64xf32, #tpu.memory_space<hbm>>
    %dma_start3A_35 = arith.constant 0 : i32
    %dma_start3A_36 = tpu.memref_slice %arg4[%add3A_32, %dma_start3A_35] : memref<204800x64xf32, #tpu.memory_space<hbm>> -> memref<400x64xf32, #tpu.memory_space<hbm>>
    tpu.enqueue_dma source(%arg6 : memref<400x64xf32, #tpu.memory_space<vmem>>) target(%dma_start3A_36 : memref<400x64xf32, #tpu.memory_space<hbm>>) target_semaphore(%arg11 : memref<!tpu.dma_semaphore, #tpu.memory_space<semaphore_mem>>)
    %dma_wait3A_37 = arith.constant 0 : i32
    %dma_wait3A_38 = tpu.memref_slice %arg4[%add3A_32, %dma_wait3A_37] : memref<204800x64xf32, #tpu.memory_space<hbm>> -> memref<400x64xf32, #tpu.memory_space<hbm>>
    %dma_wait3A_39 = arith.constant 0 : i32
    %dma_wait3A_40 = tpu.memref_slice %arg4[%add3A_32, %dma_wait3A_39] : memref<204800x64xf32, #tpu.memory_space<hbm>> -> memref<400x64xf32, #tpu.memory_space<hbm>>
    tpu.wait_dma2 semaphore(%arg11 : memref<!tpu.dma_semaphore, #tpu.memory_space<semaphore_mem>>) src(%arg6 : memref<400x64xf32, #tpu.memory_space<vmem>>) dst(%dma_wait3A_40 : memref<400x64xf32, #tpu.memory_space<hbm>>)
    %dma_start3A_41 = arith.constant 1600 : i32
    %dma_start3A_42 = tpu.memref_slice %arg5[%dma_start3A_41] : memref<6400xi32, #tpu.memory_space<vmem>> -> memref<400xi32, #tpu.memory_space<vmem>>
    %dma_start3A_43 = arith.constant 0 : i32
    %dma_start3A_44 = arith.constant 0 : i32
    %dma_start3A_45 = tpu.memref_slice %arg2[%dma_start3A_43, %dma_start3A_44] : memref<1024000x64xf32, #tpu.memory_space<hbm>> -> memref<1024000x64xf32, #tpu.memory_space<hbm>>
    tpu.enqueue_indirect_dma source(%dma_start3A_45 : memref<1024000x64xf32, #tpu.memory_space<hbm>>) target(%arg6 : memref<400x64xf32, #tpu.memory_space<vmem>>) offsets(%dma_start3A_42 : memref<400xi32, #tpu.memory_space<vmem>>) semaphore(%arg10 : memref<!tpu.dma_semaphore, #tpu.memory_space<semaphore_mem>>)
    %dma_wait3A_46 = arith.constant 400 : i32
    %dma_wait3A_47 = tpu.memref_slice %arg5[%dma_wait3A_46] : memref<6400xi32, #tpu.memory_space<vmem>> -> memref<400xi32, #tpu.memory_space<vmem>>
    %dma_wait3A_48 = arith.constant 0 : i32
    %dma_wait3A_49 = arith.constant 0 : i32
    %dma_wait3A_50 = tpu.memref_slice %arg2[%dma_wait3A_48, %dma_wait3A_49] : memref<1024000x64xf32, #tpu.memory_space<hbm>> -> memref<1024000x64xf32, #tpu.memory_space<hbm>>
    tpu.wait_indirect_dma semaphore(%arg10 : memref<!tpu.dma_semaphore, #tpu.memory_space<semaphore_mem>>) src(%dma_wait3A_50 : memref<1024000x64xf32, #tpu.memory_space<hbm>>) dst(%arg7 : memref<400x64xf32, #tpu.memory_space<vmem>>)
    %add3A_51 = arith.constant 400 : i32
    %add3A_52 = arith.addi %mul3A_2, %add3A_51 : i32
    %dma_start3A_53 = arith.constant 0 : i32
    %dma_start3A_54 = tpu.memref_slice %arg4[%add3A_52, %dma_start3A_53] : memref<204800x64xf32, #tpu.memory_space<hbm>> -> memref<400x64xf32, #tpu.memory_space<hbm>>
    %dma_start3A_55 = arith.constant 0 : i32
    %dma_start3A_56 = tpu.memref_slice %arg4[%add3A_52, %dma_start3A_55] : memref<204800x64xf32, #tpu.memory_space<hbm>> -> memref<400x64xf32, #tpu.memory_space<hbm>>
    tpu.enqueue_dma source(%arg7 : memref<400x64xf32, #tpu.memory_space<vmem>>) target(%dma_start3A_56 : memref<400x64xf32, #tpu.memory_space<hbm>>) target_semaphore(%arg11 : memref<!tpu.dma_semaphore, #tpu.memory_space<semaphore_mem>>)
    %dma_wait3A_57 = arith.constant 0 : i32
    %dma_wait3A_58 = tpu.memref_slice %arg4[%add3A_52, %dma_wait3A_57] : memref<204800x64xf32, #tpu.memory_space<hbm>> -> memref<400x64xf32, #tpu.memory_space<hbm>>
    %dma_wait3A_59 = arith.constant 0 : i32
    %dma_wait3A_60 = tpu.memref_slice %arg4[%add3A_52, %dma_wait3A_59] : memref<204800x64xf32, #tpu.memory_space<hbm>> -> memref<400x64xf32, #tpu.memory_space<hbm>>
    tpu.wait_dma2 semaphore(%arg11 : memref<!tpu.dma_semaphore, #tpu.memory_space<semaphore_mem>>) src(%arg7 : memref<400x64xf32, #tpu.memory_space<vmem>>) dst(%dma_wait3A_60 : memref<400x64xf32, #tpu.memory_space<hbm>>)
    %dma_start3A_61 = arith.constant 2000 : i32
    %dma_start3A_62 = tpu.memref_slice %arg5[%dma_start3A_61] : memref<6400xi32, #tpu.memory_space<vmem>> -> memref<400xi32, #tpu.memory_space<vmem>>
    %dma_start3A_63 = arith.constant 0 : i32
    %dma_start3A_64 = arith.constant 0 : i32
    %dma_start3A_65 = tpu.memref_slice %arg2[%dma_start3A_63, %dma_start3A_64] : memref<1024000x64xf32, #tpu.memory_space<hbm>> -> memref<1024000x64xf32, #tpu.memory_space<hbm>>
    tpu.enqueue_indirect_dma source(%dma_start3A_65 : memref<1024000x64xf32, #tpu.memory_space<hbm>>) target(%arg7 : memref<400x64xf32, #tpu.memory_space<vmem>>) offsets(%dma_start3A_62 : memref<400xi32, #tpu.memory_space<vmem>>) semaphore(%arg10 : memref<!tpu.dma_semaphore, #tpu.memory_space<semaphore_mem>>)
    %dma_wait3A_66 = arith.constant 800 : i32
    %dma_wait3A_67 = tpu.memref_slice %arg5[%dma_wait3A_66] : memref<6400xi32, #tpu.memory_space<vmem>> -> memref<400xi32, #tpu.memory_space<vmem>>
    %dma_wait3A_68 = arith.constant 0 : i32
    %dma_wait3A_69 = arith.constant 0 : i32
    %dma_wait3A_70 = tpu.memref_slice %arg2[%dma_wait3A_68, %dma_wait3A_69] : memref<1024000x64xf32, #tpu.memory_space<hbm>> -> memref<1024000x64xf32, #tpu.memory_space<hbm>>
    tpu.wait_indirect_dma semaphore(%arg10 : memref<!tpu.dma_semaphore, #tpu.memory_space<semaphore_mem>>) src(%dma_wait3A_70 : memref<1024000x64xf32, #tpu.memory_space<hbm>>) dst(%arg8 : memref<400x64xf32, #tpu.memory_space<vmem>>)
    %add3A_71 = arith.constant 800 : i32
    %add3A_72 = arith.addi %mul3A_2, %add3A_71 : i32
    %dma_start3A_73 = arith.constant 0 : i32
    %dma_start3A_74 = tpu.memref_slice %arg4[%add3A_72, %dma_start3A_73] : memref<204800x64xf32, #tpu.memory_space<hbm>> -> memref<400x64xf32, #tpu.memory_space<hbm>>
    %dma_start3A_75 = arith.constant 0 : i32
    %dma_start3A_76 = tpu.memref_slice %arg4[%add3A_72, %dma_start3A_75] : memref<204800x64xf32, #tpu.memory_space<hbm>> -> memref<400x64xf32, #tpu.memory_space<hbm>>
    tpu.enqueue_dma source(%arg8 : memref<400x64xf32, #tpu.memory_space<vmem>>) target(%dma_start3A_76 : memref<400x64xf32, #tpu.memory_space<hbm>>) target_semaphore(%arg11 : memref<!tpu.dma_semaphore, #tpu.memory_space<semaphore_mem>>)
    %dma_wait3A_77 = arith.constant 0 : i32
    %dma_wait3A_78 = tpu.memref_slice %arg4[%add3A_72, %dma_wait3A_77] : memref<204800x64xf32, #tpu.memory_space<hbm>> -> memref<400x64xf32, #tpu.memory_space<hbm>>
    %dma_wait3A_79 = arith.constant 0 : i32
    %dma_wait3A_80 = tpu.memref_slice %arg4[%add3A_72, %dma_wait3A_79] : memref<204800x64xf32, #tpu.memory_space<hbm>> -> memref<400x64xf32, #tpu.memory_space<hbm>>
    tpu.wait_dma2 semaphore(%arg11 : memref<!tpu.dma_semaphore, #tpu.memory_space<semaphore_mem>>) src(%arg8 : memref<400x64xf32, #tpu.memory_space<vmem>>) dst(%dma_wait3A_80 : memref<400x64xf32, #tpu.memory_space<hbm>>)
    %dma_start3A_81 = arith.constant 2400 : i32
    %dma_start3A_82 = tpu.memref_slice %arg5[%dma_start3A_81] : memref<6400xi32, #tpu.memory_space<vmem>> -> memref<400xi32, #tpu.memory_space<vmem>>
    %dma_start3A_83 = arith.constant 0 : i32
    %dma_start3A_84 = arith.constant 0 : i32
    %dma_start3A_85 = tpu.memref_slice %arg2[%dma_start3A_83, %dma_start3A_84] : memref<1024000x64xf32, #tpu.memory_space<hbm>> -> memref<1024000x64xf32, #tpu.memory_space<hbm>>
    tpu.enqueue_indirect_dma source(%dma_start3A_85 : memref<1024000x64xf32, #tpu.memory_space<hbm>>) target(%arg8 : memref<400x64xf32, #tpu.memory_space<vmem>>) offsets(%dma_start3A_82 : memref<400xi32, #tpu.memory_space<vmem>>) semaphore(%arg10 : memref<!tpu.dma_semaphore, #tpu.memory_space<semaphore_mem>>)
    %dma_wait3A_86 = arith.constant 1200 : i32
    %dma_wait3A_87 = tpu.memref_slice %arg5[%dma_wait3A_86] : memref<6400xi32, #tpu.memory_space<vmem>> -> memref<400xi32, #tpu.memory_space<vmem>>
    %dma_wait3A_88 = arith.constant 0 : i32
    %dma_wait3A_89 = arith.constant 0 : i32
    %dma_wait3A_90 = tpu.memref_slice %arg2[%dma_wait3A_88, %dma_wait3A_89] : memref<1024000x64xf32, #tpu.memory_space<hbm>> -> memref<1024000x64xf32, #tpu.memory_space<hbm>>
    tpu.wait_indirect_dma semaphore(%arg10 : memref<!tpu.dma_semaphore, #tpu.memory_space<semaphore_mem>>) src(%dma_wait3A_90 : memref<1024000x64xf32, #tpu.memory_space<hbm>>) dst(%arg9 : memref<400x64xf32, #tpu.memory_space<vmem>>)
    %add3A_91 = arith.constant 1200 : i32
    %add3A_92 = arith.addi %mul3A_2, %add3A_91 : i32
    %dma_start3A_93 = arith.constant 0 : i32
    %dma_start3A_94 = tpu.memref_slice %arg4[%add3A_92, %dma_start3A_93] : memref<204800x64xf32, #tpu.memory_space<hbm>> -> memref<400x64xf32, #tpu.memory_space<hbm>>
    %dma_start3A_95 = arith.constant 0 : i32
    %dma_start3A_96 = tpu.memref_slice %arg4[%add3A_92, %dma_start3A_95] : memref<204800x64xf32, #tpu.memory_space<hbm>> -> memref<400x64xf32, #tpu.memory_space<hbm>>
    tpu.enqueue_dma source(%arg9 : memref<400x64xf32, #tpu.memory_space<vmem>>) target(%dma_start3A_96 : memref<400x64xf32, #tpu.memory_space<hbm>>) target_semaphore(%arg11 : memref<!tpu.dma_semaphore, #tpu.memory_space<semaphore_mem>>)
    %dma_wait3A_97 = arith.constant 0 : i32
    %dma_wait3A_98 = tpu.memref_slice %arg4[%add3A_92, %dma_wait3A_97] : memref<204800x64xf32, #tpu.memory_space<hbm>> -> memref<400x64xf32, #tpu.memory_space<hbm>>
    %dma_wait3A_99 = arith.constant 0 : i32
    %dma_wait3A_100 = tpu.memref_slice %arg4[%add3A_92, %dma_wait3A_99] : memref<204800x64xf32, #tpu.memory_space<hbm>> -> memref<400x64xf32, #tpu.memory_space<hbm>>
    tpu.wait_dma2 semaphore(%arg11 : memref<!tpu.dma_semaphore, #tpu.memory_space<semaphore_mem>>) src(%arg9 : memref<400x64xf32, #tpu.memory_space<vmem>>) dst(%dma_wait3A_100 : memref<400x64xf32, #tpu.memory_space<hbm>>)
    %dma_start3A_101 = arith.constant 2800 : i32
    %dma_start3A_102 = tpu.memref_slice %arg5[%dma_start3A_101] : memref<6400xi32, #tpu.memory_space<vmem>> -> memref<400xi32, #tpu.memory_space<vmem>>
    %dma_start3A_103 = arith.constant 0 : i32
    %dma_start3A_104 = arith.constant 0 : i32
    %dma_start3A_105 = tpu.memref_slice %arg2[%dma_start3A_103, %dma_start3A_104] : memref<1024000x64xf32, #tpu.memory_space<hbm>> -> memref<1024000x64xf32, #tpu.memory_space<hbm>>
    tpu.enqueue_indirect_dma source(%dma_start3A_105 : memref<1024000x64xf32, #tpu.memory_space<hbm>>) target(%arg9 : memref<400x64xf32, #tpu.memory_space<vmem>>) offsets(%dma_start3A_102 : memref<400xi32, #tpu.memory_space<vmem>>) semaphore(%arg10 : memref<!tpu.dma_semaphore, #tpu.memory_space<semaphore_mem>>)
    %dma_wait3A_106 = arith.constant 1600 : i32
    %dma_wait3A_107 = tpu.memref_slice %arg5[%dma_wait3A_106] : memref<6400xi32, #tpu.memory_space<vmem>> -> memref<400xi32, #tpu.memory_space<vmem>>
    %dma_wait3A_108 = arith.constant 0 : i32
    %dma_wait3A_109 = arith.constant 0 : i32
    %dma_wait3A_110 = tpu.memref_slice %arg2[%dma_wait3A_108, %dma_wait3A_109] : memref<1024000x64xf32, #tpu.memory_space<hbm>> -> memref<1024000x64xf32, #tpu.memory_space<hbm>>
    tpu.wait_indirect_dma semaphore(%arg10 : memref<!tpu.dma_semaphore, #tpu.memory_space<semaphore_mem>>) src(%dma_wait3A_110 : memref<1024000x64xf32, #tpu.memory_space<hbm>>) dst(%arg6 : memref<400x64xf32, #tpu.memory_space<vmem>>)
    %add3A_111 = arith.constant 1600 : i32
    %add3A_112 = arith.addi %mul3A_2, %add3A_111 : i32
    %dma_start3A_113 = arith.constant 0 : i32
    %dma_start3A_114 = tpu.memref_slice %arg4[%add3A_112, %dma_start3A_113] : memref<204800x64xf32, #tpu.memory_space<hbm>> -> memref<400x64xf32, #tpu.memory_space<hbm>>
    %dma_start3A_115 = arith.constant 0 : i32
    %dma_start3A_116 = tpu.memref_slice %arg4[%add3A_112, %dma_start3A_115] : memref<204800x64xf32, #tpu.memory_space<hbm>> -> memref<400x64xf32, #tpu.memory_space<hbm>>
    tpu.enqueue_dma source(%arg6 : memref<400x64xf32, #tpu.memory_space<vmem>>) target(%dma_start3A_116 : memref<400x64xf32, #tpu.memory_space<hbm>>) target_semaphore(%arg11 : memref<!tpu.dma_semaphore, #tpu.memory_space<semaphore_mem>>)
    %dma_wait3A_117 = arith.constant 0 : i32
    %dma_wait3A_118 = tpu.memref_slice %arg4[%add3A_112, %dma_wait3A_117] : memref<204800x64xf32, #tpu.memory_space<hbm>> -> memref<400x64xf32, #tpu.memory_space<hbm>>
    %dma_wait3A_119 = arith.constant 0 : i32
    %dma_wait3A_120 = tpu.memref_slice %arg4[%add3A_112, %dma_wait3A_119] : memref<204800x64xf32, #tpu.memory_space<hbm>> -> memref<400x64xf32, #tpu.memory_space<hbm>>
    tpu.wait_dma2 semaphore(%arg11 : memref<!tpu.dma_semaphore, #tpu.memory_space<semaphore_mem>>) src(%arg6 : memref<400x64xf32, #tpu.memory_space<vmem>>) dst(%dma_wait3A_120 : memref<400x64xf32, #tpu.memory_space<hbm>>)
    %dma_start3A_121 = arith.constant 3200 : i32
    %dma_start3A_122 = tpu.memref_slice %arg5[%dma_start3A_121] : memref<6400xi32, #tpu.memory_space<vmem>> -> memref<400xi32, #tpu.memory_space<vmem>>
    %dma_start3A_123 = arith.constant 0 : i32
    %dma_start3A_124 = arith.constant 0 : i32
    %dma_start3A_125 = tpu.memref_slice %arg2[%dma_start3A_123, %dma_start3A_124] : memref<1024000x64xf32, #tpu.memory_space<hbm>> -> memref<1024000x64xf32, #tpu.memory_space<hbm>>
    tpu.enqueue_indirect_dma source(%dma_start3A_125 : memref<1024000x64xf32, #tpu.memory_space<hbm>>) target(%arg6 : memref<400x64xf32, #tpu.memory_space<vmem>>) offsets(%dma_start3A_122 : memref<400xi32, #tpu.memory_space<vmem>>) semaphore(%arg10 : memref<!tpu.dma_semaphore, #tpu.memory_space<semaphore_mem>>)
    %dma_wait3A_126 = arith.constant 2000 : i32
    %dma_wait3A_127 = tpu.memref_slice %arg5[%dma_wait3A_126] : memref<6400xi32, #tpu.memory_space<vmem>> -> memref<400xi32, #tpu.memory_space<vmem>>
    %dma_wait3A_128 = arith.constant 0 : i32
    %dma_wait3A_129 = arith.constant 0 : i32
    %dma_wait3A_130 = tpu.memref_slice %arg2[%dma_wait3A_128, %dma_wait3A_129] : memref<1024000x64xf32, #tpu.memory_space<hbm>> -> memref<1024000x64xf32, #tpu.memory_space<hbm>>
    tpu.wait_indirect_dma semaphore(%arg10 : memref<!tpu.dma_semaphore, #tpu.memory_space<semaphore_mem>>) src(%dma_wait3A_130 : memref<1024000x64xf32, #tpu.memory_space<hbm>>) dst(%arg7 : memref<400x64xf32, #tpu.memory_space<vmem>>)
    %add3A_131 = arith.constant 2000 : i32
    %add3A_132 = arith.addi %mul3A_2, %add3A_131 : i32
    %dma_start3A_133 = arith.constant 0 : i32
    %dma_start3A_134 = tpu.memref_slice %arg4[%add3A_132, %dma_start3A_133] : memref<204800x64xf32, #tpu.memory_space<hbm>> -> memref<400x64xf32, #tpu.memory_space<hbm>>
    %dma_start3A_135 = arith.constant 0 : i32
    %dma_start3A_136 = tpu.memref_slice %arg4[%add3A_132, %dma_start3A_135] : memref<204800x64xf32, #tpu.memory_space<hbm>> -> memref<400x64xf32, #tpu.memory_space<hbm>>
    tpu.enqueue_dma source(%arg7 : memref<400x64xf32, #tpu.memory_space<vmem>>) target(%dma_start3A_136 : memref<400x64xf32, #tpu.memory_space<hbm>>) target_semaphore(%arg11 : memref<!tpu.dma_semaphore, #tpu.memory_space<semaphore_mem>>)
    %dma_wait3A_137 = arith.constant 0 : i32
    %dma_wait3A_138 = tpu.memref_slice %arg4[%add3A_132, %dma_wait3A_137] : memref<204800x64xf32, #tpu.memory_space<hbm>> -> memref<400x64xf32, #tpu.memory_space<hbm>>
    %dma_wait3A_139 = arith.constant 0 : i32
    %dma_wait3A_140 = tpu.memref_slice %arg4[%add3A_132, %dma_wait3A_139] : memref<204800x64xf32, #tpu.memory_space<hbm>> -> memref<400x64xf32, #tpu.memory_space<hbm>>
    tpu.wait_dma2 semaphore(%arg11 : memref<!tpu.dma_semaphore, #tpu.memory_space<semaphore_mem>>) src(%arg7 : memref<400x64xf32, #tpu.memory_space<vmem>>) dst(%dma_wait3A_140 : memref<400x64xf32, #tpu.memory_space<hbm>>)
    %dma_start3A_141 = arith.constant 3600 : i32
    %dma_start3A_142 = tpu.memref_slice %arg5[%dma_start3A_141] : memref<6400xi32, #tpu.memory_space<vmem>> -> memref<400xi32, #tpu.memory_space<vmem>>
    %dma_start3A_143 = arith.constant 0 : i32
    %dma_start3A_144 = arith.constant 0 : i32
    %dma_start3A_145 = tpu.memref_slice %arg2[%dma_start3A_143, %dma_start3A_144] : memref<1024000x64xf32, #tpu.memory_space<hbm>> -> memref<1024000x64xf32, #tpu.memory_space<hbm>>
    tpu.enqueue_indirect_dma source(%dma_start3A_145 : memref<1024000x64xf32, #tpu.memory_space<hbm>>) target(%arg7 : memref<400x64xf32, #tpu.memory_space<vmem>>) offsets(%dma_start3A_142 : memref<400xi32, #tpu.memory_space<vmem>>) semaphore(%arg10 : memref<!tpu.dma_semaphore, #tpu.memory_space<semaphore_mem>>)
    %dma_wait3A_146 = arith.constant 2400 : i32
    %dma_wait3A_147 = tpu.memref_slice %arg5[%dma_wait3A_146] : memref<6400xi32, #tpu.memory_space<vmem>> -> memref<400xi32, #tpu.memory_space<vmem>>
    %dma_wait3A_148 = arith.constant 0 : i32
    %dma_wait3A_149 = arith.constant 0 : i32
    %dma_wait3A_150 = tpu.memref_slice %arg2[%dma_wait3A_148, %dma_wait3A_149] : memref<1024000x64xf32, #tpu.memory_space<hbm>> -> memref<1024000x64xf32, #tpu.memory_space<hbm>>
    tpu.wait_indirect_dma semaphore(%arg10 : memref<!tpu.dma_semaphore, #tpu.memory_space<semaphore_mem>>) src(%dma_wait3A_150 : memref<1024000x64xf32, #tpu.memory_space<hbm>>) dst(%arg8 : memref<400x64xf32, #tpu.memory_space<vmem>>)
    %add3A_151 = arith.constant 2400 : i32
    %add3A_152 = arith.addi %mul3A_2, %add3A_151 : i32
    %dma_start3A_153 = arith.constant 0 : i32
    %dma_start3A_154 = tpu.memref_slice %arg4[%add3A_152, %dma_start3A_153] : memref<204800x64xf32, #tpu.memory_space<hbm>> -> memref<400x64xf32, #tpu.memory_space<hbm>>
    %dma_start3A_155 = arith.constant 0 : i32
    %dma_start3A_156 = tpu.memref_slice %arg4[%add3A_152, %dma_start3A_155] : memref<204800x64xf32, #tpu.memory_space<hbm>> -> memref<400x64xf32, #tpu.memory_space<hbm>>
    tpu.enqueue_dma source(%arg8 : memref<400x64xf32, #tpu.memory_space<vmem>>) target(%dma_start3A_156 : memref<400x64xf32, #tpu.memory_space<hbm>>) target_semaphore(%arg11 : memref<!tpu.dma_semaphore, #tpu.memory_space<semaphore_mem>>)
    %dma_wait3A_157 = arith.constant 0 : i32
    %dma_wait3A_158 = tpu.memref_slice %arg4[%add3A_152, %dma_wait3A_157] : memref<204800x64xf32, #tpu.memory_space<hbm>> -> memref<400x64xf32, #tpu.memory_space<hbm>>
    %dma_wait3A_159 = arith.constant 0 : i32
    %dma_wait3A_160 = tpu.memref_slice %arg4[%add3A_152, %dma_wait3A_159] : memref<204800x64xf32, #tpu.memory_space<hbm>> -> memref<400x64xf32, #tpu.memory_space<hbm>>
    tpu.wait_dma2 semaphore(%arg11 : memref<!tpu.dma_semaphore, #tpu.memory_space<semaphore_mem>>) src(%arg8 : memref<400x64xf32, #tpu.memory_space<vmem>>) dst(%dma_wait3A_160 : memref<400x64xf32, #tpu.memory_space<hbm>>)
    %dma_start3A_161 = arith.constant 4000 : i32
    %dma_start3A_162 = tpu.memref_slice %arg5[%dma_start3A_161] : memref<6400xi32, #tpu.memory_space<vmem>> -> memref<400xi32, #tpu.memory_space<vmem>>
    %dma_start3A_163 = arith.constant 0 : i32
    %dma_start3A_164 = arith.constant 0 : i32
    %dma_start3A_165 = tpu.memref_slice %arg2[%dma_start3A_163, %dma_start3A_164] : memref<1024000x64xf32, #tpu.memory_space<hbm>> -> memref<1024000x64xf32, #tpu.memory_space<hbm>>
    tpu.enqueue_indirect_dma source(%dma_start3A_165 : memref<1024000x64xf32, #tpu.memory_space<hbm>>) target(%arg8 : memref<400x64xf32, #tpu.memory_space<vmem>>) offsets(%dma_start3A_162 : memref<400xi32, #tpu.memory_space<vmem>>) semaphore(%arg10 : memref<!tpu.dma_semaphore, #tpu.memory_space<semaphore_mem>>)
    %dma_wait3A_166 = arith.constant 2800 : i32
    %dma_wait3A_167 = tpu.memref_slice %arg5[%dma_wait3A_166] : memref<6400xi32, #tpu.memory_space<vmem>> -> memref<400xi32, #tpu.memory_space<vmem>>
    %dma_wait3A_168 = arith.constant 0 : i32
    %dma_wait3A_169 = arith.constant 0 : i32
    %dma_wait3A_170 = tpu.memref_slice %arg2[%dma_wait3A_168, %dma_wait3A_169] : memref<1024000x64xf32, #tpu.memory_space<hbm>> -> memref<1024000x64xf32, #tpu.memory_space<hbm>>
    tpu.wait_indirect_dma semaphore(%arg10 : memref<!tpu.dma_semaphore, #tpu.memory_space<semaphore_mem>>) src(%dma_wait3A_170 : memref<1024000x64xf32, #tpu.memory_space<hbm>>) dst(%arg9 : memref<400x64xf32, #tpu.memory_space<vmem>>)
    %add3A_171 = arith.constant 2800 : i32
    %add3A_172 = arith.addi %mul3A_2, %add3A_171 : i32
    %dma_start3A_173 = arith.constant 0 : i32
    %dma_start3A_174 = tpu.memref_slice %arg4[%add3A_172, %dma_start3A_173] : memref<204800x64xf32, #tpu.memory_space<hbm>> -> memref<400x64xf32, #tpu.memory_space<hbm>>
    %dma_start3A_175 = arith.constant 0 : i32
    %dma_start3A_176 = tpu.memref_slice %arg4[%add3A_172, %dma_start3A_175] : memref<204800x64xf32, #tpu.memory_space<hbm>> -> memref<400x64xf32, #tpu.memory_space<hbm>>
    tpu.enqueue_dma source(%arg9 : memref<400x64xf32, #tpu.memory_space<vmem>>) target(%dma_start3A_176 : memref<400x64xf32, #tpu.memory_space<hbm>>) target_semaphore(%arg11 : memref<!tpu.dma_semaphore, #tpu.memory_space<semaphore_mem>>)
    %dma_wait3A_177 = arith.constant 0 : i32
    %dma_wait3A_178 = tpu.memref_slice %arg4[%add3A_172, %dma_wait3A_177] : memref<204800x64xf32, #tpu.memory_space<hbm>> -> memref<400x64xf32, #tpu.memory_space<hbm>>
    %dma_wait3A_179 = arith.constant 0 : i32
    %dma_wait3A_180 = tpu.memref_slice %arg4[%add3A_172, %dma_wait3A_179] : memref<204800x64xf32, #tpu.memory_space<hbm>> -> memref<400x64xf32, #tpu.memory_space<hbm>>
    tpu.wait_dma2 semaphore(%arg11 : memref<!tpu.dma_semaphore, #tpu.memory_space<semaphore_mem>>) src(%arg9 : memref<400x64xf32, #tpu.memory_space<vmem>>) dst(%dma_wait3A_180 : memref<400x64xf32, #tpu.memory_space<hbm>>)
    %dma_start3A_181 = arith.constant 4400 : i32
    %dma_start3A_182 = tpu.memref_slice %arg5[%dma_start3A_181] : memref<6400xi32, #tpu.memory_space<vmem>> -> memref<400xi32, #tpu.memory_space<vmem>>
    %dma_start3A_183 = arith.constant 0 : i32
    %dma_start3A_184 = arith.constant 0 : i32
    %dma_start3A_185 = tpu.memref_slice %arg2[%dma_start3A_183, %dma_start3A_184] : memref<1024000x64xf32, #tpu.memory_space<hbm>> -> memref<1024000x64xf32, #tpu.memory_space<hbm>>
    tpu.enqueue_indirect_dma source(%dma_start3A_185 : memref<1024000x64xf32, #tpu.memory_space<hbm>>) target(%arg9 : memref<400x64xf32, #tpu.memory_space<vmem>>) offsets(%dma_start3A_182 : memref<400xi32, #tpu.memory_space<vmem>>) semaphore(%arg10 : memref<!tpu.dma_semaphore, #tpu.memory_space<semaphore_mem>>)
    %dma_wait3A_186 = arith.constant 3200 : i32
    %dma_wait3A_187 = tpu.memref_slice %arg5[%dma_wait3A_186] : memref<6400xi32, #tpu.memory_space<vmem>> -> memref<400xi32, #tpu.memory_space<vmem>>
    %dma_wait3A_188 = arith.constant 0 : i32
    %dma_wait3A_189 = arith.constant 0 : i32
    %dma_wait3A_190 = tpu.memref_slice %arg2[%dma_wait3A_188, %dma_wait3A_189] : memref<1024000x64xf32, #tpu.memory_space<hbm>> -> memref<1024000x64xf32, #tpu.memory_space<hbm>>
    tpu.wait_indirect_dma semaphore(%arg10 : memref<!tpu.dma_semaphore, #tpu.memory_space<semaphore_mem>>) src(%dma_wait3A_190 : memref<1024000x64xf32, #tpu.memory_space<hbm>>) dst(%arg6 : memref<400x64xf32, #tpu.memory_space<vmem>>)
    %add3A_191 = arith.constant 3200 : i32
    %add3A_192 = arith.addi %mul3A_2, %add3A_191 : i32
    %dma_start3A_193 = arith.constant 0 : i32
    %dma_start3A_194 = tpu.memref_slice %arg4[%add3A_192, %dma_start3A_193] : memref<204800x64xf32, #tpu.memory_space<hbm>> -> memref<400x64xf32, #tpu.memory_space<hbm>>
    %dma_start3A_195 = arith.constant 0 : i32
    %dma_start3A_196 = tpu.memref_slice %arg4[%add3A_192, %dma_start3A_195] : memref<204800x64xf32, #tpu.memory_space<hbm>> -> memref<400x64xf32, #tpu.memory_space<hbm>>
    tpu.enqueue_dma source(%arg6 : memref<400x64xf32, #tpu.memory_space<vmem>>) target(%dma_start3A_196 : memref<400x64xf32, #tpu.memory_space<hbm>>) target_semaphore(%arg11 : memref<!tpu.dma_semaphore, #tpu.memory_space<semaphore_mem>>)
    %dma_wait3A_197 = arith.constant 0 : i32
    %dma_wait3A_198 = tpu.memref_slice %arg4[%add3A_192, %dma_wait3A_197] : memref<204800x64xf32, #tpu.memory_space<hbm>> -> memref<400x64xf32, #tpu.memory_space<hbm>>
    %dma_wait3A_199 = arith.constant 0 : i32
    %dma_wait3A_200 = tpu.memref_slice %arg4[%add3A_192, %dma_wait3A_199] : memref<204800x64xf32, #tpu.memory_space<hbm>> -> memref<400x64xf32, #tpu.memory_space<hbm>>
    tpu.wait_dma2 semaphore(%arg11 : memref<!tpu.dma_semaphore, #tpu.memory_space<semaphore_mem>>) src(%arg6 : memref<400x64xf32, #tpu.memory_space<vmem>>) dst(%dma_wait3A_200 : memref<400x64xf32, #tpu.memory_space<hbm>>)
    %dma_start3A_201 = arith.constant 4800 : i32
    %dma_start3A_202 = tpu.memref_slice %arg5[%dma_start3A_201] : memref<6400xi32, #tpu.memory_space<vmem>> -> memref<400xi32, #tpu.memory_space<vmem>>
    %dma_start3A_203 = arith.constant 0 : i32
    %dma_start3A_204 = arith.constant 0 : i32
    %dma_start3A_205 = tpu.memref_slice %arg2[%dma_start3A_203, %dma_start3A_204] : memref<1024000x64xf32, #tpu.memory_space<hbm>> -> memref<1024000x64xf32, #tpu.memory_space<hbm>>
    tpu.enqueue_indirect_dma source(%dma_start3A_205 : memref<1024000x64xf32, #tpu.memory_space<hbm>>) target(%arg6 : memref<400x64xf32, #tpu.memory_space<vmem>>) offsets(%dma_start3A_202 : memref<400xi32, #tpu.memory_space<vmem>>) semaphore(%arg10 : memref<!tpu.dma_semaphore, #tpu.memory_space<semaphore_mem>>)
    %dma_wait3A_206 = arith.constant 3600 : i32
    %dma_wait3A_207 = tpu.memref_slice %arg5[%dma_wait3A_206] : memref<6400xi32, #tpu.memory_space<vmem>> -> memref<400xi32, #tpu.memory_space<vmem>>
    %dma_wait3A_208 = arith.constant 0 : i32
    %dma_wait3A_209 = arith.constant 0 : i32
    %dma_wait3A_210 = tpu.memref_slice %arg2[%dma_wait3A_208, %dma_wait3A_209] : memref<1024000x64xf32, #tpu.memory_space<hbm>> -> memref<1024000x64xf32, #tpu.memory_space<hbm>>
    tpu.wait_indirect_dma semaphore(%arg10 : memref<!tpu.dma_semaphore, #tpu.memory_space<semaphore_mem>>) src(%dma_wait3A_210 : memref<1024000x64xf32, #tpu.memory_space<hbm>>) dst(%arg7 : memref<400x64xf32, #tpu.memory_space<vmem>>)
    %add3A_211 = arith.constant 3600 : i32
    %add3A_212 = arith.addi %mul3A_2, %add3A_211 : i32
    %dma_start3A_213 = arith.constant 0 : i32
    %dma_start3A_214 = tpu.memref_slice %arg4[%add3A_212, %dma_start3A_213] : memref<204800x64xf32, #tpu.memory_space<hbm>> -> memref<400x64xf32, #tpu.memory_space<hbm>>
    %dma_start3A_215 = arith.constant 0 : i32
    %dma_start3A_216 = tpu.memref_slice %arg4[%add3A_212, %dma_start3A_215] : memref<204800x64xf32, #tpu.memory_space<hbm>> -> memref<400x64xf32, #tpu.memory_space<hbm>>
    tpu.enqueue_dma source(%arg7 : memref<400x64xf32, #tpu.memory_space<vmem>>) target(%dma_start3A_216 : memref<400x64xf32, #tpu.memory_space<hbm>>) target_semaphore(%arg11 : memref<!tpu.dma_semaphore, #tpu.memory_space<semaphore_mem>>)
    %dma_wait3A_217 = arith.constant 0 : i32
    %dma_wait3A_218 = tpu.memref_slice %arg4[%add3A_212, %dma_wait3A_217] : memref<204800x64xf32, #tpu.memory_space<hbm>> -> memref<400x64xf32, #tpu.memory_space<hbm>>
    %dma_wait3A_219 = arith.constant 0 : i32
    %dma_wait3A_220 = tpu.memref_slice %arg4[%add3A_212, %dma_wait3A_219] : memref<204800x64xf32, #tpu.memory_space<hbm>> -> memref<400x64xf32, #tpu.memory_space<hbm>>
    tpu.wait_dma2 semaphore(%arg11 : memref<!tpu.dma_semaphore, #tpu.memory_space<semaphore_mem>>) src(%arg7 : memref<400x64xf32, #tpu.memory_space<vmem>>) dst(%dma_wait3A_220 : memref<400x64xf32, #tpu.memory_space<hbm>>)
    %dma_start3A_221 = arith.constant 5200 : i32
    %dma_start3A_222 = tpu.memref_slice %arg5[%dma_start3A_221] : memref<6400xi32, #tpu.memory_space<vmem>> -> memref<400xi32, #tpu.memory_space<vmem>>
    %dma_start3A_223 = arith.constant 0 : i32
    %dma_start3A_224 = arith.constant 0 : i32
    %dma_start3A_225 = tpu.memref_slice %arg2[%dma_start3A_223, %dma_start3A_224] : memref<1024000x64xf32, #tpu.memory_space<hbm>> -> memref<1024000x64xf32, #tpu.memory_space<hbm>>
    tpu.enqueue_indirect_dma source(%dma_start3A_225 : memref<1024000x64xf32, #tpu.memory_space<hbm>>) target(%arg7 : memref<400x64xf32, #tpu.memory_space<vmem>>) offsets(%dma_start3A_222 : memref<400xi32, #tpu.memory_space<vmem>>) semaphore(%arg10 : memref<!tpu.dma_semaphore, #tpu.memory_space<semaphore_mem>>)
    %dma_wait3A_226 = arith.constant 4000 : i32
    %dma_wait3A_227 = tpu.memref_slice %arg5[%dma_wait3A_226] : memref<6400xi32, #tpu.memory_space<vmem>> -> memref<400xi32, #tpu.memory_space<vmem>>
    %dma_wait3A_228 = arith.constant 0 : i32
    %dma_wait3A_229 = arith.constant 0 : i32
    %dma_wait3A_230 = tpu.memref_slice %arg2[%dma_wait3A_228, %dma_wait3A_229] : memref<1024000x64xf32, #tpu.memory_space<hbm>> -> memref<1024000x64xf32, #tpu.memory_space<hbm>>
    tpu.wait_indirect_dma semaphore(%arg10 : memref<!tpu.dma_semaphore, #tpu.memory_space<semaphore_mem>>) src(%dma_wait3A_230 : memref<1024000x64xf32, #tpu.memory_space<hbm>>) dst(%arg8 : memref<400x64xf32, #tpu.memory_space<vmem>>)
    %add3A_231 = arith.constant 4000 : i32
    %add3A_232 = arith.addi %mul3A_2, %add3A_231 : i32
    %dma_start3A_233 = arith.constant 0 : i32
    %dma_start3A_234 = tpu.memref_slice %arg4[%add3A_232, %dma_start3A_233] : memref<204800x64xf32, #tpu.memory_space<hbm>> -> memref<400x64xf32, #tpu.memory_space<hbm>>
    %dma_start3A_235 = arith.constant 0 : i32
    %dma_start3A_236 = tpu.memref_slice %arg4[%add3A_232, %dma_start3A_235] : memref<204800x64xf32, #tpu.memory_space<hbm>> -> memref<400x64xf32, #tpu.memory_space<hbm>>
    tpu.enqueue_dma source(%arg8 : memref<400x64xf32, #tpu.memory_space<vmem>>) target(%dma_start3A_236 : memref<400x64xf32, #tpu.memory_space<hbm>>) target_semaphore(%arg11 : memref<!tpu.dma_semaphore, #tpu.memory_space<semaphore_mem>>)
    %dma_wait3A_237 = arith.constant 0 : i32
    %dma_wait3A_238 = tpu.memref_slice %arg4[%add3A_232, %dma_wait3A_237] : memref<204800x64xf32, #tpu.memory_space<hbm>> -> memref<400x64xf32, #tpu.memory_space<hbm>>
    %dma_wait3A_239 = arith.constant 0 : i32
    %dma_wait3A_240 = tpu.memref_slice %arg4[%add3A_232, %dma_wait3A_239] : memref<204800x64xf32, #tpu.memory_space<hbm>> -> memref<400x64xf32, #tpu.memory_space<hbm>>
    tpu.wait_dma2 semaphore(%arg11 : memref<!tpu.dma_semaphore, #tpu.memory_space<semaphore_mem>>) src(%arg8 : memref<400x64xf32, #tpu.memory_space<vmem>>) dst(%dma_wait3A_240 : memref<400x64xf32, #tpu.memory_space<hbm>>)
    %dma_start3A_241 = arith.constant 5600 : i32
    %dma_start3A_242 = tpu.memref_slice %arg5[%dma_start3A_241] : memref<6400xi32, #tpu.memory_space<vmem>> -> memref<400xi32, #tpu.memory_space<vmem>>
    %dma_start3A_243 = arith.constant 0 : i32
    %dma_start3A_244 = arith.constant 0 : i32
    %dma_start3A_245 = tpu.memref_slice %arg2[%dma_start3A_243, %dma_start3A_244] : memref<1024000x64xf32, #tpu.memory_space<hbm>> -> memref<1024000x64xf32, #tpu.memory_space<hbm>>
    tpu.enqueue_indirect_dma source(%dma_start3A_245 : memref<1024000x64xf32, #tpu.memory_space<hbm>>) target(%arg8 : memref<400x64xf32, #tpu.memory_space<vmem>>) offsets(%dma_start3A_242 : memref<400xi32, #tpu.memory_space<vmem>>) semaphore(%arg10 : memref<!tpu.dma_semaphore, #tpu.memory_space<semaphore_mem>>)
    %dma_wait3A_246 = arith.constant 4400 : i32
    %dma_wait3A_247 = tpu.memref_slice %arg5[%dma_wait3A_246] : memref<6400xi32, #tpu.memory_space<vmem>> -> memref<400xi32, #tpu.memory_space<vmem>>
    %dma_wait3A_248 = arith.constant 0 : i32
    %dma_wait3A_249 = arith.constant 0 : i32
    %dma_wait3A_250 = tpu.memref_slice %arg2[%dma_wait3A_248, %dma_wait3A_249] : memref<1024000x64xf32, #tpu.memory_space<hbm>> -> memref<1024000x64xf32, #tpu.memory_space<hbm>>
    tpu.wait_indirect_dma semaphore(%arg10 : memref<!tpu.dma_semaphore, #tpu.memory_space<semaphore_mem>>) src(%dma_wait3A_250 : memref<1024000x64xf32, #tpu.memory_space<hbm>>) dst(%arg9 : memref<400x64xf32, #tpu.memory_space<vmem>>)
    %add3A_251 = arith.constant 4400 : i32
    %add3A_252 = arith.addi %mul3A_2, %add3A_251 : i32
    %dma_start3A_253 = arith.constant 0 : i32
    %dma_start3A_254 = tpu.memref_slice %arg4[%add3A_252, %dma_start3A_253] : memref<204800x64xf32, #tpu.memory_space<hbm>> -> memref<400x64xf32, #tpu.memory_space<hbm>>
    %dma_start3A_255 = arith.constant 0 : i32
    %dma_start3A_256 = tpu.memref_slice %arg4[%add3A_252, %dma_start3A_255] : memref<204800x64xf32, #tpu.memory_space<hbm>> -> memref<400x64xf32, #tpu.memory_space<hbm>>
    tpu.enqueue_dma source(%arg9 : memref<400x64xf32, #tpu.memory_space<vmem>>) target(%dma_start3A_256 : memref<400x64xf32, #tpu.memory_space<hbm>>) target_semaphore(%arg11 : memref<!tpu.dma_semaphore, #tpu.memory_space<semaphore_mem>>)
    %dma_wait3A_257 = arith.constant 0 : i32
    %dma_wait3A_258 = tpu.memref_slice %arg4[%add3A_252, %dma_wait3A_257] : memref<204800x64xf32, #tpu.memory_space<hbm>> -> memref<400x64xf32, #tpu.memory_space<hbm>>
    %dma_wait3A_259 = arith.constant 0 : i32
    %dma_wait3A_260 = tpu.memref_slice %arg4[%add3A_252, %dma_wait3A_259] : memref<204800x64xf32, #tpu.memory_space<hbm>> -> memref<400x64xf32, #tpu.memory_space<hbm>>
    tpu.wait_dma2 semaphore(%arg11 : memref<!tpu.dma_semaphore, #tpu.memory_space<semaphore_mem>>) src(%arg9 : memref<400x64xf32, #tpu.memory_space<vmem>>) dst(%dma_wait3A_260 : memref<400x64xf32, #tpu.memory_space<hbm>>)
    %dma_start3A_261 = arith.constant 6000 : i32
    %dma_start3A_262 = tpu.memref_slice %arg5[%dma_start3A_261] : memref<6400xi32, #tpu.memory_space<vmem>> -> memref<400xi32, #tpu.memory_space<vmem>>
    %dma_start3A_263 = arith.constant 0 : i32
    %dma_start3A_264 = arith.constant 0 : i32
    %dma_start3A_265 = tpu.memref_slice %arg2[%dma_start3A_263, %dma_start3A_264] : memref<1024000x64xf32, #tpu.memory_space<hbm>> -> memref<1024000x64xf32, #tpu.memory_space<hbm>>
    tpu.enqueue_indirect_dma source(%dma_start3A_265 : memref<1024000x64xf32, #tpu.memory_space<hbm>>) target(%arg9 : memref<400x64xf32, #tpu.memory_space<vmem>>) offsets(%dma_start3A_262 : memref<400xi32, #tpu.memory_space<vmem>>) semaphore(%arg10 : memref<!tpu.dma_semaphore, #tpu.memory_space<semaphore_mem>>)
    %dma_wait3A_266 = arith.constant 4800 : i32
    %dma_wait3A_267 = tpu.memref_slice %arg5[%dma_wait3A_266] : memref<6400xi32, #tpu.memory_space<vmem>> -> memref<400xi32, #tpu.memory_space<vmem>>
    %dma_wait3A_268 = arith.constant 0 : i32
    %dma_wait3A_269 = arith.constant 0 : i32
    %dma_wait3A_270 = tpu.memref_slice %arg2[%dma_wait3A_268, %dma_wait3A_269] : memref<1024000x64xf32, #tpu.memory_space<hbm>> -> memref<1024000x64xf32, #tpu.memory_space<hbm>>
    tpu.wait_indirect_dma semaphore(%arg10 : memref<!tpu.dma_semaphore, #tpu.memory_space<semaphore_mem>>) src(%dma_wait3A_270 : memref<1024000x64xf32, #tpu.memory_space<hbm>>) dst(%arg6 : memref<400x64xf32, #tpu.memory_space<vmem>>)
    %add3A_271 = arith.constant 4800 : i32
    %add3A_272 = arith.addi %mul3A_2, %add3A_271 : i32
    %dma_start3A_273 = arith.constant 0 : i32
    %dma_start3A_274 = tpu.memref_slice %arg4[%add3A_272, %dma_start3A_273] : memref<204800x64xf32, #tpu.memory_space<hbm>> -> memref<400x64xf32, #tpu.memory_space<hbm>>
    %dma_start3A_275 = arith.constant 0 : i32
    %dma_start3A_276 = tpu.memref_slice %arg4[%add3A_272, %dma_start3A_275] : memref<204800x64xf32, #tpu.memory_space<hbm>> -> memref<400x64xf32, #tpu.memory_space<hbm>>
    tpu.enqueue_dma source(%arg6 : memref<400x64xf32, #tpu.memory_space<vmem>>) target(%dma_start3A_276 : memref<400x64xf32, #tpu.memory_space<hbm>>) target_semaphore(%arg11 : memref<!tpu.dma_semaphore, #tpu.memory_space<semaphore_mem>>)
    %dma_wait3A_277 = arith.constant 5200 : i32
    %dma_wait3A_278 = tpu.memref_slice %arg5[%dma_wait3A_277] : memref<6400xi32, #tpu.memory_space<vmem>> -> memref<400xi32, #tpu.memory_space<vmem>>
    %dma_wait3A_279 = arith.constant 0 : i32
    %dma_wait3A_280 = arith.constant 0 : i32
    %dma_wait3A_281 = tpu.memref_slice %arg2[%dma_wait3A_279, %dma_wait3A_280] : memref<1024000x64xf32, #tpu.memory_space<hbm>> -> memref<1024000x64xf32, #tpu.memory_space<hbm>>
    tpu.wait_indirect_dma semaphore(%arg10 : memref<!tpu.dma_semaphore, #tpu.memory_space<semaphore_mem>>) src(%dma_wait3A_281 : memref<1024000x64xf32, #tpu.memory_space<hbm>>) dst(%arg7 : memref<400x64xf32, #tpu.memory_space<vmem>>)
    %add3A_282 = arith.constant 5200 : i32
    %add3A_283 = arith.addi %mul3A_2, %add3A_282 : i32
    %dma_start3A_284 = arith.constant 0 : i32
    %dma_start3A_285 = tpu.memref_slice %arg4[%add3A_283, %dma_start3A_284] : memref<204800x64xf32, #tpu.memory_space<hbm>> -> memref<400x64xf32, #tpu.memory_space<hbm>>
    %dma_start3A_286 = arith.constant 0 : i32
    %dma_start3A_287 = tpu.memref_slice %arg4[%add3A_283, %dma_start3A_286] : memref<204800x64xf32, #tpu.memory_space<hbm>> -> memref<400x64xf32, #tpu.memory_space<hbm>>
    tpu.enqueue_dma source(%arg7 : memref<400x64xf32, #tpu.memory_space<vmem>>) target(%dma_start3A_287 : memref<400x64xf32, #tpu.memory_space<hbm>>) target_semaphore(%arg11 : memref<!tpu.dma_semaphore, #tpu.memory_space<semaphore_mem>>)
    %dma_wait3A_288 = arith.constant 5600 : i32
    %dma_wait3A_289 = tpu.memref_slice %arg5[%dma_wait3A_288] : memref<6400xi32, #tpu.memory_space<vmem>> -> memref<400xi32, #tpu.memory_space<vmem>>
    %dma_wait3A_290 = arith.constant 0 : i32
    %dma_wait3A_291 = arith.constant 0 : i32
    %dma_wait3A_292 = tpu.memref_slice %arg2[%dma_wait3A_290, %dma_wait3A_291] : memref<1024000x64xf32, #tpu.memory_space<hbm>> -> memref<1024000x64xf32, #tpu.memory_space<hbm>>
    tpu.wait_indirect_dma semaphore(%arg10 : memref<!tpu.dma_semaphore, #tpu.memory_space<semaphore_mem>>) src(%dma_wait3A_292 : memref<1024000x64xf32, #tpu.memory_space<hbm>>) dst(%arg8 : memref<400x64xf32, #tpu.memory_space<vmem>>)
    %add3A_293 = arith.constant 5600 : i32
    %add3A_294 = arith.addi %mul3A_2, %add3A_293 : i32
    %dma_start3A_295 = arith.constant 0 : i32
    %dma_start3A_296 = tpu.memref_slice %arg4[%add3A_294, %dma_start3A_295] : memref<204800x64xf32, #tpu.memory_space<hbm>> -> memref<400x64xf32, #tpu.memory_space<hbm>>
    %dma_start3A_297 = arith.constant 0 : i32
    %dma_start3A_298 = tpu.memref_slice %arg4[%add3A_294, %dma_start3A_297] : memref<204800x64xf32, #tpu.memory_space<hbm>> -> memref<400x64xf32, #tpu.memory_space<hbm>>
    tpu.enqueue_dma source(%arg8 : memref<400x64xf32, #tpu.memory_space<vmem>>) target(%dma_start3A_298 : memref<400x64xf32, #tpu.memory_space<hbm>>) target_semaphore(%arg11 : memref<!tpu.dma_semaphore, #tpu.memory_space<semaphore_mem>>)
    %dma_wait3A_299 = arith.constant 6000 : i32
    %dma_wait3A_300 = tpu.memref_slice %arg5[%dma_wait3A_299] : memref<6400xi32, #tpu.memory_space<vmem>> -> memref<400xi32, #tpu.memory_space<vmem>>
    %dma_wait3A_301 = arith.constant 0 : i32
    %dma_wait3A_302 = arith.constant 0 : i32
    %dma_wait3A_303 = tpu.memref_slice %arg2[%dma_wait3A_301, %dma_wait3A_302] : memref<1024000x64xf32, #tpu.memory_space<hbm>> -> memref<1024000x64xf32, #tpu.memory_space<hbm>>
    tpu.wait_indirect_dma semaphore(%arg10 : memref<!tpu.dma_semaphore, #tpu.memory_space<semaphore_mem>>) src(%dma_wait3A_303 : memref<1024000x64xf32, #tpu.memory_space<hbm>>) dst(%arg9 : memref<400x64xf32, #tpu.memory_space<vmem>>)
    %add3A_304 = arith.constant 6000 : i32
    %add3A_305 = arith.addi %mul3A_2, %add3A_304 : i32
    %dma_start3A_306 = arith.constant 0 : i32
    %dma_start3A_307 = tpu.memref_slice %arg4[%add3A_305, %dma_start3A_306] : memref<204800x64xf32, #tpu.memory_space<hbm>> -> memref<400x64xf32, #tpu.memory_space<hbm>>
    %dma_start3A_308 = arith.constant 0 : i32
    %dma_start3A_309 = tpu.memref_slice %arg4[%add3A_305, %dma_start3A_308] : memref<204800x64xf32, #tpu.memory_space<hbm>> -> memref<400x64xf32, #tpu.memory_space<hbm>>
    tpu.enqueue_dma source(%arg9 : memref<400x64xf32, #tpu.memory_space<vmem>>) target(%dma_start3A_309 : memref<400x64xf32, #tpu.memory_space<hbm>>) target_semaphore(%arg11 : memref<!tpu.dma_semaphore, #tpu.memory_space<semaphore_mem>>)
    %dma_wait3A_310 = arith.constant 0 : i32
    %dma_wait3A_311 = tpu.memref_slice %arg4[%add3A_272, %dma_wait3A_310] : memref<204800x64xf32, #tpu.memory_space<hbm>> -> memref<400x64xf32, #tpu.memory_space<hbm>>
    %dma_wait3A_312 = arith.constant 0 : i32
    %dma_wait3A_313 = tpu.memref_slice %arg4[%add3A_272, %dma_wait3A_312] : memref<204800x64xf32, #tpu.memory_space<hbm>> -> memref<400x64xf32, #tpu.memory_space<hbm>>
    tpu.wait_dma2 semaphore(%arg11 : memref<!tpu.dma_semaphore, #tpu.memory_space<semaphore_mem>>) src(%arg6 : memref<400x64xf32, #tpu.memory_space<vmem>>) dst(%dma_wait3A_313 : memref<400x64xf32, #tpu.memory_space<hbm>>)
    %dma_wait3A_314 = arith.constant 0 : i32
    %dma_wait3A_315 = tpu.memref_slice %arg4[%add3A_283, %dma_wait3A_314] : memref<204800x64xf32, #tpu.memory_space<hbm>> -> memref<400x64xf32, #tpu.memory_space<hbm>>
    %dma_wait3A_316 = arith.constant 0 : i32
    %dma_wait3A_317 = tpu.memref_slice %arg4[%add3A_283, %dma_wait3A_316] : memref<204800x64xf32, #tpu.memory_space<hbm>> -> memref<400x64xf32, #tpu.memory_space<hbm>>
    tpu.wait_dma2 semaphore(%arg11 : memref<!tpu.dma_semaphore, #tpu.memory_space<semaphore_mem>>) src(%arg7 : memref<400x64xf32, #tpu.memory_space<vmem>>) dst(%dma_wait3A_317 : memref<400x64xf32, #tpu.memory_space<hbm>>)
    %dma_wait3A_318 = arith.constant 0 : i32
    %dma_wait3A_319 = tpu.memref_slice %arg4[%add3A_294, %dma_wait3A_318] : memref<204800x64xf32, #tpu.memory_space<hbm>> -> memref<400x64xf32, #tpu.memory_space<hbm>>
    %dma_wait3A_320 = arith.constant 0 : i32
    %dma_wait3A_321 = tpu.memref_slice %arg4[%add3A_294, %dma_wait3A_320] : memref<204800x64xf32, #tpu.memory_space<hbm>> -> memref<400x64xf32, #tpu.memory_space<hbm>>
    tpu.wait_dma2 semaphore(%arg11 : memref<!tpu.dma_semaphore, #tpu.memory_space<semaphore_mem>>) src(%arg8 : memref<400x64xf32, #tpu.memory_space<vmem>>) dst(%dma_wait3A_321 : memref<400x64xf32, #tpu.memory_space<hbm>>)
    %dma_wait3A_322 = arith.constant 0 : i32
    %dma_wait3A_323 = tpu.memref_slice %arg4[%add3A_305, %dma_wait3A_322] : memref<204800x64xf32, #tpu.memory_space<hbm>> -> memref<400x64xf32, #tpu.memory_space<hbm>>
    %dma_wait3A_324 = arith.constant 0 : i32
    %dma_wait3A_325 = tpu.memref_slice %arg4[%add3A_305, %dma_wait3A_324] : memref<204800x64xf32, #tpu.memory_space<hbm>> -> memref<400x64xf32, #tpu.memory_space<hbm>>
    tpu.wait_dma2 semaphore(%arg11 : memref<!tpu.dma_semaphore, #tpu.memory_space<semaphore_mem>>) src(%arg9 : memref<400x64xf32, #tpu.memory_space<vmem>>) dst(%dma_wait3A_325 : memref<400x64xf32, #tpu.memory_space<hbm>>)
    return
  }
}

</mosaic_0001>

<sc_bundles>
// kernel: kernel.3.cloned.1.call-start
scs
__scs_entry_jumppad:
0x0: {  	(pc) =	sbr.rel $0x88, $3  }
0x1: {  	(tag) =	ssettag $0x0;
	lr =	simm.s32 $0x1  }
0x2: {  	[smem:$0x3F9F] =	sst lr;
	_ =	strace $0xD0000000  }
0x3: {  	_ = 	snop  }
0x4: {  	_ = 	snop  }
0x5: {  	_ = 	snop  }
0x6: {  	_ = 	snop  }
0x7: {  	_ = 	snop  }
__scs_overlays_trampoline_lowered:
0x8: {  	[smem:$0x3FAE] =	sst s0  }
0x9: {  	[smem:$0x3FAF] =	sst s1  }
0xa: {  	[smem:$0x3FB0] =	sst s2  }
0xb: {  	[smem:$0x3FB1] =	sst s3  }
0xc: {  	[smem:$0x3FB2] =	sst s4  }
0xd: {  	[smem:$0x3FB3] =	sst s5  }
0xe: {  	[smem:$0x3FB4] =	sst s6  }
0xf: {  	[smem:$0x3FB5] =	sst s7  }
0x10: {  	[smem:$0x3FB6] =	sst s8  }
0x11: {  	[smem:$0x3FB7] =	sst s9;
	s0 =	simm.s32 @!p0 $0x0  }
0x12: {  	s1 =	sld [smem:$0x3F9D];
	s0 =	simm.s32 @p0 $0x1  }
0x13: {  	[smem:$0x3FB8] =	sst s0;
	s0 =	simm.s32 @!p1 $0x0  }
0x14: {  	s2 =	sld [smem:$0x3F9C];
	s0 =	simm.s32 @p1 $0x1  }
0x15: {  	[smem:$0x3FB9] =	sst s0;
	s0 =	simm.s32 @!p2 $0x0  }
0x16: {  	s3 =	sld [smem:$0x3FDB];
	s0 =	simm.s32 @p2 $0x1  }
0x17: {  	s4 =	simm.s32 $0x1BF5;
	[smem:$0x3FBB] =	sst s0  }
0x18: {  	s0 =	sld [smem:$0x3F9E];
	_ =	swait.ge [sflag:s4], $0x0  }
0x19: {  	s7 =	sld [smem:$0x3F9F]  }
0x1a: {  	s8 =	sadd.s32 $0xFFFFE003, lr  }
0x1b: {  	s9 =	sadd.s32 $0xFFFFFEF7, lr;
	s5 =	simm.s32 $0xFFFFFFFF;
	p2 =	slt.u32 s8, $0xFFFFF086  }
0x1c: {  	p1 =	slt.u32 s9, $0xF7A;
	s5 =	simm.s32 @!p2 $0x0  }
0x1d: {  	s5 =	simm.s32 @p1 $0x1;
	p0 =	seq.s32 s7, s2  }
0x1e: {  	s7 =	smul.u32 @!p0 $0xF7A, s2;
	p2 =	seq.s32 @!p0 s5, $0x0  }
0x1f: {  	s9 =	smul.u32 $0xF7A, s1;
	s8 =	simm.s32 @!p0 $0x1BF5;
	p2 =	por !p2, p0  }
0x20: {  	[sflag:s8] =	ssyncset.s32 @!p0 $0xFFFFF086;
	s6 =	sadd.s32 @!p0 s3, s7;
	s7 =	simm.s32 @!p0 $0x108  }
0x21: {  	s3 =	sadd.s32 s3, s9;
	s6 =	sadd.s32 @!p0 $0x88, s6;
	s7 =	simm.s32 @p2 $0x1082  }
0x22: {  	[simem:s7], [sflag:s8] =	dma.local @!p0 [hbm:s6], $0xF7A  }
0x23: {  	s9 =	sor.u32 $0xD0000000, s2;
	s6 =	simm.s32 $0x108;
	_ =	swait.ge @!p0 [sflag:s8], $0x0  }
0x24: {  	s3 =	sadd.s32 $0x88, s3;
	s6 =	simm.s32 @!p1 $0x1082;
	[sflag:s4] =	ssyncset.s32 $0xFFFFF086  }
0x25: {  	[simem:s6], [sflag:s4] =	dma.local [hbm:s3], $0xF7A  }
0x26: {  	[smem:$0x3F9F] =	sst s1;
	(tag) =	ssettag s2;
	_ =	strace s9  }
0x27: {  	s1 =	sld [smem:$0x3FAF]  }
0x28: {  	s2 =	sld [smem:$0x3FB0]  }
0x29: {  	s4 =	sld [smem:$0x3FB2]  }
0x2a: {  	p0 =	seq.s32 s5, $0x0;
	s5 =	sld [smem:$0x3FB3]  }
0x2b: {  	s6 =	sld [smem:$0x3FB4]  }
0x2c: {  	s7 =	sld [smem:$0x3FB5]  }
0x2d: {  	s3 =	simm.s32 $0x108;
	s8 =	sld [smem:$0x3FB6]  }
0x2e: {  	s3 =	simm.s32 @!p0 $0x1082;
	s9 =	sld [smem:$0x3FB7]  }
0x2f: {  	lr =	sadd.s32 s0, s3;
	s0 =	sld [smem:$0x3FAE]  }
0x30: {  	s3 =	sld [smem:$0x3FB1]  }
0x31: {  	[smem:$0x3FBA] =	sst s10  }
0x32: {  	s10 =	sld [smem:$0x3FB8];
	_ =	sdelay $0x3  }
0x33: {  	p0 =	seq.s32 s10, $0x1;
	s10 =	sld [smem:$0x3FBA];
	_ =	sdelay $0x3  }
0x34: {  	[smem:$0x3FBA] =	sst s10  }
0x35: {  	s10 =	sld [smem:$0x3FB9];
	_ =	sdelay $0x3  }
0x36: {  	p1 =	seq.s32 s10, $0x1;
	s10 =	sld [smem:$0x3FBA];
	_ =	sdelay $0x3  }
0x37: {  	[smem:$0x3FBA] =	sst s10  }
0x38: {  	s10 =	sld [smem:$0x3FBB]  }
0x39: {  	_ = 	snop;
	(pc) =	sbr.ind lr, $3  }
0x3a: {  	_ = 	snop  }
0x3b: {  	_ = 	snop  }
0x3c: {  	p2 =	seq.s32 s10, $0x1;
	s10 =	sld [smem:$0x3FBA]  }
0x3d: {  	_ =	shalt  }
0x3e: {  	_ =	shalt  }
0x3f: {  	_ =	shalt  }
0x40: {  	_ =	shalt  }
0x41: {  	_ =	shalt  }
0x42: {  	_ =	shalt  }
0x43: {  	_ =	shalt  }
0x44: {  	_ =	shalt  }
0x45: {  	_ =	shalt  }
0x46: {  	_ =	shalt  }
0x47: {  	_ =	shalt  }
0x48: {  	_ =	shalt  }
0x49: {  	_ =	shalt  }
0x4a: {  	_ =	shalt  }
0x4b: {  	_ =	shalt  }
0x4c: {  	_ =	shalt  }
0x4d: {  	_ =	shalt  }
0x4e: {  	_ =	shalt  }
0x4f: {  	_ =	shalt  }
0x50: {  	_ =	shalt  }
0x51: {  	_ =	shalt  }
0x52: {  	_ =	shalt  }
0x53: {  	_ =	shalt  }
0x54: {  	_ =	shalt  }
0x55: {  	_ =	shalt  }
0x56: {  	_ =	shalt  }
0x57: {  	_ =	shalt  }
0x58: {  	_ =	shalt  }
0x59: {  	_ =	shalt  }
0x5a: {  	_ =	shalt  }
0x5b: {  	_ =	shalt  }
0x5c: {  	_ =	shalt  }
0x5d: {  	_ =	shalt  }
0x5e: {  	_ =	shalt  }
0x5f: {  	_ =	shalt  }
0x60: {  	_ =	shalt  }
0x61: {  	_ =	shalt  }
0x62: {  	_ =	shalt  }
0x63: {  	_ =	shalt  }
0x64: {  	_ =	shalt  }
0x65: {  	_ =	shalt  }
0x66: {  	_ =	shalt  }
0x67: {  	_ =	shalt  }
0x68: {  	_ =	shalt  }
0x69: {  	_ =	shalt  }
0x6a: {  	_ =	shalt  }
0x6b: {  	_ =	shalt  }
0x6c: {  	_ =	shalt  }
0x6d: {  	_ =	shalt  }
0x6e: {  	_ =	shalt  }
0x6f: {  	_ =	shalt  }
0x70: {  	_ =	shalt  }
0x71: {  	_ =	shalt  }
0x72: {  	_ =	shalt  }
0x73: {  	_ =	shalt  }
0x74: {  	_ =	shalt  }
0x75: {  	_ =	shalt  }
0x76: {  	_ =	shalt  }
0x77: {  	_ =	shalt  }
0x78: {  	_ =	shalt  }
0x79: {  	_ =	shalt  }
0x7a: {  	_ =	shalt  }
0x7b: {  	_ =	shalt  }
0x7c: {  	_ =	shalt  }
0x7d: {  	_ =	shalt  }
0x7e: {  	_ =	shalt  }
0x7f: {  	_ =	shalt  }
0x80: {  	_ =	shalt  }
0x81: {  	_ =	shalt  }
0x82: {  	_ =	shalt  }
0x83: {  	_ =	shalt  }
0x84: {  	_ =	shalt  }
0x85: {  	_ =	shalt  }
0x86: {  	_ =	shalt  }
0x87: {  	_ =	shalt  }
.Lfunc_end0:
.L_simem_size_0:
called_computation.1_lowered:
.L_overlay_start_0:
0x88: {  	s2 =	sld [smem:$0x3FD9]  }
0x89: {  	s3 =	sld [smem:$0x3FFE];
	_ =	sdelay $0x1  }
0x8a: {  	s1 =	srdreg.scid  }
0x8b: {  	s0 =	sand.u32 $0x1, s1  }
0x8c: {  	s17 =	sshll.u32 s0, $0xA;
	s2 =	sadd.s32 s3, s2  }
0x8d: {  	s2 =	sadd.s32 s2, s17  }
0x8e: {  	[smem:$0x3FC6] =	sst s2  }
0x8f: {  	_ = 	snop  }
0x90: {  	s2 =	sld [smem:$0x3FD0];
	(tm) =	ssettm $0x1  }
0x91: {  	s18 =	sld [smem:$0x3FFB];
	_ =	sdelay $0x3  }
0x92: {  	_ =	strace s18  }
0x93: {  	s3 =	sld [smem:$0x3FFC];
	_ =	sdelay $0x3  }
0x94: {  	_ =	strace s3  }
0x95: {  	s3 =	sld [smem:$0x3FFD];
	_ =	sdelay $0x3  }
0x96: {  	_ =	strace s3  }
0x97: {  	_ =	strace $0x8FFFFFFF  }
0x98: {  	s19 =	sld [smem:$0x3FDB];
	_ =	sdelay $0x1  }
0x99: {  	s4 =	simm.s32 $_scs_section_size  }
0x9a: {  	s5 =	simm.s32 $_size__tile_overlayer_lowered;
	s6 =	simm.s32 $_tile_overlayer_lowered  }
0x9b: {  	s22 =	simm.s32 $0x1BFF;
	s21 =	sshll.u32 s6, $0x1;
	s3 =	sadd.s32 s4, s19  }
0x9c: {  	s7 =	simm.s32 $0x0;
	s20 =	sshll.u32 s5, $0x1;
	s5 =	sadd.s32 s21, s3  }
0x9d: {  	[timem:s7], [sflag:s22] =	dma.local [hbm:s5], s20  }
0x9e: {  	_ =	swait.ge [sflag:s22], s20  }
0x9f: {  	s4 =	ssub.s32 $0x0, s20;
	[sflag:s22] =	ssyncset.done $0x0  }
0xa0: {  	[sflag:s22] =	ssyncadd.s32 s4;
	_ =	sdelay $0x1  }
0xa1: {  	s23 =	simm.s32 $0x1B8B  }
0xa2: {  	_ =	swait.ge [sflag:s23], $0x1  }
0xa3: {  	[sflag:s23] =	ssyncset.done $0x0  }
0xa4: {  	s25 =	simm.s32 $0x1B8E;
	s24 =	sld [smem:$0x3FFE];
	[sflag:s23] =	ssyncadd.s32 $0xFFFFFFFF  }
0xa5: {  	s26 =	simm.s32 $execute0_lowered;
	[smem:$0x3FD2] =	sst s25  }
0xa6: {  	s5 =	sshll.u32 s26, $0x1;
	_ =	strace $0x80000046;
	[dreg:$0x1] =	wrdreg $0xFFFFFFFF  }
0xa7: {  	s28 =	simm.s32 $_size_execute0_lowered;
	s3 =	sadd.s32 s3, s5;
	[dreg:$0x0] =	wrdreg $0x0  }
0xa8: {  	s5 =	sshll.u32 s28, $0x1;
	[dreg:$0x2] =	wrdreg s3  }
0xa9: {  	[dreg:$0x3] =	wrdreg s5  }
0xaa: {  	[dreg:$0x4] =	wrdreg $0xC0  }
0xab: {  	_ =	task [dreg:s7], $0x5FFFF  }
0xac: {  	[dreg:$0x1] =	wrdreg $0xFFFFFFFF  }
0xad: {  	[dreg:$0x0] =	wrdreg $0x60  }
0xae: {  	[dreg:$0x2] =	wrdreg s24  }
0xaf: {  	[dreg:$0x3] =	wrdreg s2  }
0xb0: {  	[dreg:$0x4] =	wrdreg $0x9  }
0xb1: {  	_ =	task.clear_ibuf [dreg:s7], $0x5FFFF;
	_ =	strace $0x90000046  }
0xb2: {  	s29 =	simm.s32 $0x9;
	_ =	strace $0x80000048  }
0xb3: {  	_ =	swait.ge [sflag:s29], $0x1  }
0xb4: {  	[sflag:s29] =	ssyncadd.s32 $0xFFFFFFFF  }
0xb5: {  	_ =	strace $0x90000048  }
0xb6: {  	_ =	sfence  }
0xb7: {  	s30 =	sld [smem:$0x0];
	_ =	sdelay $0x2  }
0xb8: {  	s31 =	sshll.u32 s1, $0xD;
	s1 =	sshrl.u32 s1, $0x2  }
0xb9: {  	s3 =	sand.u32 $0x4000, s31;
	s1 =	sadd.s32 s1, s30  }
0xba: {  	s0 =	sor.u32 s3, s0;
	s1 =	sshll.u32 s1, $0x11  }
0xbb: {  	s0 =	sor.u32 s1, s0  }
0xbc: {  	s0 =	sadd.s32 $0x8F2B, s0  }
0xbd: {  	[sflag:s0] =	ssyncadd.remote.s32 $0x1  }
0xbe: {  	_ =	sfence.sel $0xFFFF  }
0xbf: {  	[dreg:$0x0] =	wrdreg $0xFFFFFFFF;
	(pc) =	sbr.abs _section_cstart, $3  }
0xc0: {  	[dreg:$0x1] =	wrdreg $0xFFFFFFFF  }
0xc1: {  	_ =	task.clear_ibuf [dreg:s7], $0x2FFFF;
	_ =	strace $0x9FFFFFFF  }
0xc2: {  	(tm) =	ssettm $0x7FFFFFFF  }
0xc3: {  	_ =	shalt  }
tec
execute0_lowered:
.L_overlay_start_1:
0x0: {  	(tag) =	ssettag $0x1  }
0x1: {  	s0 =	srdreg.scid  }
0x2: {  	s10 =	stileid.u32;
	s1 =	rddreg [dreg:$0x0]  }
0x3: {  	s4 =	rddreg [dreg:$0x1];
	s29 =	simm.s32 $0xE100;
	s31 =	simm.s32 $0x14500  }
0x4: {  	s0 =	sand.u32 $0x1, s0;
	s2 =	sshll.u32 s10, $0x1;
	s30 =	smul.u32 $0x3200, s10  }
0x5: {  	s5 =	sor.u32 s0, s2;
	s23 =	ssub.s32 $0x2, s0;
	s0 =	smul.u32 $0x1900, s0  }
0x6: {  	s28 =	simm.s32 $0x0;
	s2 =	simm.s32 $0x0;
	s3 =	smul.u32 $0x1900, s5  }
0x7: {  	[smem:$0x7FF] =	sst s2;
	s7 =	smul.u32 $0x64000, s5;
	s8 =	sshrl.u32 s23, $0x1  }
0x8: {  	s5 =	smul.u32 $0xC800, s5;
	_ =	strace $0x80000047;
	s0 =	sadd.s32 s0, s30  }
0x9: {  	s6 =	sshrl.u32 s3, $0x3;
	s3 =	sadd.s32 $0xFA0A00, s1;
	s7 =	sshrl.u32 s7, $0x3  }
0xa: {  	s0 =	smulhi.u32 $0x147AE15, s0;
	s1 =	sadd.s32 s6, s1;
	s6 =	ssub.s32 s23, s8  }
0xb: {  	s24 =	sadd.s32 s4, s7;
	s4 =	sadd.s32 s4, s5;
	s23 =	simm.s32 $0x3  }
0xc: {  	s1 =	sadd.s32 $0xA00, s1;
	[dreg:$0x4] =	wrdreg s4;
	s25 =	sadd.s32 $0xC80, s24  }
0xd: {  	s26 =	sadd.s32 $0x1900, s24;
	s8 =	sadd.s32 $0x2580, s24;
	s9 =	sadd.s32 $0x3200, s24  }
0xe: {  	s10 =	sadd.s32 $0x3E80, s24;
	s11 =	sadd.s32 $0x4B00, s24;
	s12 =	sadd.s32 $0x5780, s24  }
0xf: {  	s13 =	sadd.s32 $0x6400, s24;
	s14 =	sadd.s32 $0x7080, s24;
	s15 =	sadd.s32 $0x7D00, s24  }
0x10: {  	s16 =	sadd.s32 $0x8980, s24;
	s17 =	sadd.s32 $0x9600, s24;
	s18 =	sadd.s32 $0xA280, s24  }
0x11: {  	s19 =	sadd.s32 $0xAF00, s24;
	s20 =	sadd.s32 $0xBB80, s24;
	[dreg:$0x3] =	wrdreg s1  }
0x12: {  	s21 =	smax.u32 s6, $0x1;
	s22 =	smul.u32 $0x3E8, s0;
	[dreg:$0x5] =	wrdreg s25  }
0x13: {  	s24 =	simm.s32 $0x190;
	s0 =	simm.s32 $0x2;
	[dreg:$0x6] =	wrdreg s26  }
0x14: {  	vm0 =	vmmov $0xff;
	s25 =	simm.s32 $0x1900;
	s26 =	simm.s32 $0x7D00;
	s1 =	simm.s32 $0x1  }
.LBB2_1:
0x15: {  	s4 =	rddreg [dreg:$0x3]  }
0x16: {  	[tilespmem:s2], [sflag:$0x3] =	stream.linear.gather [hbm4b:s4+s2], $0x1900, $0x38;
	[tilespmem:$0x1A900] =	vst v63  }
0x17: {  	_ =	swait.ge [sflag:s23], $0x1900  }
0x18: {  	[sflag:s23] =	ssyncset.done $0x0  }
0x19: {  	s30 =	simm.s32 $0xC0;
	[sflag:s23] =	ssyncadd.s32 $0xFFFFE700  }
0x1a: {  	v0 =	vld [tilespmem:s30+$0xFFFFFF40]  }
0x1b: {  	v1 =	vld [tilespmem:s30+$0xFFFFFF50]  }
0x1c: {  	v2 =	vld [tilespmem:s30+$0xFFFFFF60]  }
0x1d: {  	v3 =	vld [tilespmem:s30+$0xFFFFFF70]  }
0x1e: {  	s4 =	sadd.s32 $0x0, s22;
	v4 =	vld [tilespmem:s30+$0xFFFFFF80]  }
0x1f: {  	v5 =	vld [tilespmem:s30+$0xFFFFFF90];
	v0 =	vadd.s32 s4, v0  }
0x20: {  	[tilespmem:s30+$0xFFFFFF40] =	vst v0;
	v0 =	vadd.s32 s4, v1;
	v1 =	vld [tilespmem:s30+$0xFFFFFFA0]  }
0x21: {  	[tilespmem:s30+$0xFFFFFF50] =	vst v0;
	v0 =	vadd.s32 s4, v2;
	v2 =	vld [tilespmem:s30+$0xFFFFFFB0]  }
0x22: {  	[tilespmem:s30+$0xFFFFFF60] =	vst v0;
	v0 =	vadd.s32 s4, v3;
	v3 =	vld [tilespmem:s30+$0xFFFFFFC0]  }
0x23: {  	[tilespmem:s30+$0xFFFFFF70] =	vst v0;
	v0 =	vadd.s32 s4, v4;
	v4 =	vld [tilespmem:s30+$0xFFFFFFD0]  }
0x24: {  	[tilespmem:s30+$0xFFFFFF80] =	vst v0;
	v0 =	vadd.s32 s4, v5;
	v5 =	vld [tilespmem:s30+$0xFFFFFFE0]  }
0x25: {  	[tilespmem:s30+$0xFFFFFF90] =	vst v0;
	v0 =	vadd.s32 s4, v1;
	v1 =	vld [tilespmem:s30+$0x0]  }
0x26: {  	[tilespmem:s30+$0xFFFFFFA0] =	vst v0;
	v0 =	vadd.s32 s4, v2;
	v2 =	vld [tilespmem:s30+$0x10]  }
0x27: {  	s5 =	sadd.s32 $0x3E8, s4;
	[tilespmem:s30+$0xFFFFFFB0] =	vst v0;
	v0 =	vadd.s32 s4, v3;
	v3 =	vld [tilespmem:s30+$0x20]  }
0x28: {  	v6 =	vld [tilespmem:s30+$0x30];
	[tilespmem:s30+$0xFFFFFFC0] =	vst v0;
	v0 =	vadd.s32 s4, v4;
	v4 =	vmov s5  }
0x29: {  	[tilespmem:s30+$0xFFFFFFD0] =	vst v0;
	v0 =	vadd.s32 s4, v5;
	v4 =	vsel vm0, s4, v4;
	v5 =	vld [tilespmem:s30+$0x40]  }
0x2a: {  	[tilespmem:s30+$0xFFFFFFE0] =	vst v0;
	v0 =	vadd.s32 v4, v1;
	v4 =	vld [tilespmem:s30+$0x50]  }
0x2b: {  	v7 =	vld [tilespmem:s30+$0x60];
	[tilespmem:s30+$0x0] =	vst v0;
	v0 =	vadd.s32 s5, v2  }
0x2c: {  	v8 =	vld [tilespmem:s30+$0x70];
	[tilespmem:s30+$0x10] =	vst v0;
	v0 =	vadd.s32 s5, v3  }
0x2d: {  	v1 =	vadd.s32 s5, v6;
	[tilespmem:s30+$0x20] =	vst v0;
	v0 =	vld [tilespmem:s30+$0x80]  }
0x2e: {  	[tilespmem:s30+$0x30] =	vst v1;
	v1 =	vld [tilespmem:s30+$0x90];
	v2 =	vadd.s32 s5, v5  }
0x2f: {  	[tilespmem:s30+$0x40] =	vst v2;
	v3 =	vadd.s32 s5, v4;
	v2 =	vld [tilespmem:s30+$0xA0]  }
0x30: {  	v4 =	vadd.s32 s5, v7;
	[tilespmem:s30+$0x50] =	vst v3;
	v3 =	vld [tilespmem:s30+$0xB0]  }
0x31: {  	s6 =	simm.s32 $0x7D0;
	s7 =	simm.s32 $0xC0;
	v5 =	vadd.s32 s5, v8;
	[tilespmem:s30+$0x60] =	vst v4;
	v4 =	vld [tilespmem:s30+$0xC0]  }
.LBB2_2:
0x32: {  	p0 =	sne.s32 s6, $0x7530;
	v6 =	vld [tilespmem:s30+$0xFFFFFFF0];
	[tilespmem:s30+$0x70] =	vst v5;
	v0 =	vadd.s32 s5, v0;
	s7 =	sadd.s32 $0x190, s7  }
0x33: {  	v5 =	vld [tilespmem:s7+$0xFFFFFF40];
	[tilespmem:s30+$0x80] =	vst v0;
	v0 =	vadd.s32 s5, v1  }
0x34: {  	v1 =	vld [tilespmem:s7+$0xFFFFFF50];
	[tilespmem:s30+$0x90] =	vst v0;
	v0 =	vadd.s32 s5, v2  }
0x35: {  	v2 =	vld [tilespmem:s7+$0xFFFFFF60];
	[tilespmem:s30+$0xA0] =	vst v0;
	v0 =	vadd.s32 s5, v3  }
0x36: {  	v3 =	vld [tilespmem:s7+$0xFFFFFF70];
	[tilespmem:s30+$0xB0] =	vst v0;
	v0 =	vadd.s32 s5, v4  }
0x37: {  	v4 =	vld [tilespmem:s7+$0xFFFFFF80];
	v6 =	vadd.s32 s4, v6;
	s4 =	sadd.s32 s6, s22;
	[tilespmem:s30+$0xC0] =	vst v0  }
0x38: {  	v0 =	vadd.s32 s4, v5;
	v5 =	vld [tilespmem:s7+$0xFFFFFF90];
	[tilespmem:s30+$0xFFFFFFF0] =	vst v6;
	s30 =	smov.u32 s7  }
0x39: {  	[tilespmem:s7+$0xFFFFFF40] =	vst v0;
	v0 =	vadd.s32 s4, v1;
	v1 =	vld [tilespmem:s7+$0xFFFFFFA0]  }
0x3a: {  	[tilespmem:s7+$0xFFFFFF50] =	vst v0;
	v0 =	vadd.s32 s4, v2;
	v2 =	vld [tilespmem:s7+$0xFFFFFFB0]  }
0x3b: {  	[tilespmem:s7+$0xFFFFFF60] =	vst v0;
	v0 =	vadd.s32 s4, v3;
	v3 =	vld [tilespmem:s7+$0xFFFFFFC0]  }
0x3c: {  	[tilespmem:s7+$0xFFFFFF70] =	vst v0;
	v0 =	vadd.s32 s4, v4;
	v4 =	vld [tilespmem:s7+$0xFFFFFFD0]  }
0x3d: {  	[tilespmem:s7+$0xFFFFFF80] =	vst v0;
	v0 =	vadd.s32 s4, v5;
	v5 =	vld [tilespmem:s7+$0xFFFFFFE0]  }
0x3e: {  	[tilespmem:s7+$0xFFFFFF90] =	vst v0;
	v0 =	vadd.s32 s4, v1;
	v1 =	vld [tilespmem:s7+$0x0]  }
0x3f: {  	[tilespmem:s7+$0xFFFFFFA0] =	vst v0;
	v0 =	vadd.s32 s4, v2;
	v2 =	vld [tilespmem:s7+$0x10]  }
0x40: {  	s5 =	sadd.s32 $0x3E8, s4;
	[tilespmem:s7+$0xFFFFFFB0] =	vst v0;
	v0 =	vadd.s32 s4, v3;
	v3 =	vld [tilespmem:s7+$0x20]  }
0x41: {  	[tilespmem:s7+$0xFFFFFFC0] =	vst v0;
	v0 =	vadd.s32 s4, v4;
	v4 =	vmov s5;
	v6 =	vld [tilespmem:s7+$0x30]  }
0x42: {  	[tilespmem:s7+$0xFFFFFFD0] =	vst v0;
	v0 =	vadd.s32 s4, v5;
	v4 =	vsel vm0, s4, v4;
	v5 =	vld [tilespmem:s7+$0x40]  }
0x43: {  	[tilespmem:s7+$0xFFFFFFE0] =	vst v0;
	v0 =	vadd.s32 v4, v1;
	v4 =	vld [tilespmem:s7+$0x50]  }
0x44: {  	[tilespmem:s7+$0x0] =	vst v0;
	v0 =	vadd.s32 s5, v2;
	v7 =	vld [tilespmem:s7+$0x60]  }
0x45: {  	[tilespmem:s7+$0x10] =	vst v0;
	v0 =	vadd.s32 s5, v3;
	v8 =	vld [tilespmem:s7+$0x70]  }
.Ltmp0:
0x46: {  	[tilespmem:s7+$0x20] =	vst v0;
	v1 =	vadd.s32 s5, v6;
	v0 =	vld [tilespmem:s7+$0x80];
	(pc) =	sbr.rel @p0 .LBB2_2-.Ltmp0, $4  }
0x47: {  	[tilespmem:s7+$0x30] =	vst v1;
	v2 =	vadd.s32 s5, v5;
	v1 =	vld [tilespmem:s7+$0x90]  }
0x48: {  	[tilespmem:s7+$0x40] =	vst v2;
	v3 =	vadd.s32 s5, v4;
	v2 =	vld [tilespmem:s7+$0xA0]  }
0x49: {  	[tilespmem:s7+$0x50] =	vst v3;
	v4 =	vadd.s32 s5, v7;
	v3 =	vld [tilespmem:s7+$0xB0]  }
0x4a: {  	s6 =	sadd.s32 $0x7D0, s6;
	[tilespmem:s7+$0x60] =	vst v4;
	v5 =	vadd.s32 s5, v8;
	v4 =	vld [tilespmem:s7+$0xC0]  }
0x4b: {  	v6 =	vld [tilespmem:s30+$0xFFFFFFF0];
	[tilespmem:s30+$0x70] =	vst v5;
	v0 =	vadd.s32 s5, v0  }
0x4c: {  	[tilespmem:s30+$0x80] =	vst v0;
	v59 =	vadd.s32 s5, v1  }
0x4d: {  	[tilespmem:s30+$0x90] =	vst v59;
	v60 =	vadd.s32 s5, v2  }
0x4e: {  	[tilespmem:s30+$0xA0] =	vst v60;
	v61 =	vadd.s32 s5, v3  }
0x4f: {  	v62 =	vadd.s32 s5, v4;
	[tilespmem:s30+$0xB0] =	vst v61  }
0x50: {  	v63 =	vadd.s32 s4, v6;
	[tilespmem:s30+$0xC0] =	vst v62  }
0x51: {  	[tilespmem:s30+$0xFFFFFFF0] =	vst v63  }
0x52: {  	[tilespmem:s25], [sflag:$0x1] =	stream.indirect.gather [hbm4b:s3+s24], $0x40, s2, s24, $0xb8;
	[tilespmem:$0x1A900] =	vst v63  }
0x53: {  	_ = 	snop  }
0x54: {  	[tilespmem:s26], [sflag:$0x1] =	stream.indirect.gather [hbm4b:s3+s24], $0x40, s24, s24, $0xb8;
	[tilespmem:$0x1A900] =	vst v63  }
0x55: {  	s30 =	simm.s32 $0x320  }
0x56: {  	[tilespmem:s29], [sflag:$0x1] =	stream.indirect.gather [hbm4b:s3+s24], $0x40, s30, s24, $0xb8;
	[tilespmem:$0x1A900] =	vst v63  }
0x57: {  	s5 =	simm.s32 $0x4B0  }
0x58: {  	[tilespmem:s31], [sflag:$0x1] =	stream.indirect.gather [hbm4b:s3+s24], $0x40, s5, s24, $0xb8;
	[tilespmem:$0x1A900] =	vst v63  }
0x59: {  	_ =	swait.ge [sflag:s1], $0x6400  }
0x5a: {  	[sflag:s1] =	ssyncset.done $0x0  }
0x5b: {  	s6 =	rddreg [dreg:$0x4];
	[sflag:s1] =	ssyncadd.s32 $0xFFFF9C00  }
0x5c: {  	[hbm4b:s6+s2] =	stream.linear.scatter [tilespmem:s25], [sflag:$0x2], $0x6400, $0x38;
	[tilespmem:$0x1A900] =	vst v63  }
0x5d: {  	_ =	swait.ge [sflag:s0], $0x6400  }
0x5e: {  	[sflag:s0] =	ssyncset.done $0x0  }
0x5f: {  	s7 =	simm.s32 $0x640;
	[sflag:s0] =	ssyncadd.s32 $0xFFFF9C00  }
0x60: {  	[tilespmem:s25], [sflag:$0x1] =	stream.indirect.gather [hbm4b:s3+s24], $0x40, s7, s24, $0xb8;
	[tilespmem:$0x1A900] =	vst v63  }
0x61: {  	_ =	swait.ge [sflag:s1], $0x6400  }
0x62: {  	[sflag:s1] =	ssyncset.done $0x0  }
0x63: {  	s30 =	rddreg [dreg:$0x5];
	[sflag:s1] =	ssyncadd.s32 $0xFFFF9C00  }
0x64: {  	[hbm4b:s30+s2] =	stream.linear.scatter [tilespmem:s26], [sflag:$0x2], $0x6400, $0x38;
	[tilespmem:$0x1A900] =	vst v63  }
0x65: {  	_ =	swait.ge [sflag:s0], $0x6400  }
0x66: {  	[sflag:s0] =	ssyncset.done $0x0  }
0x67: {  	s5 =	simm.s32 $0x7D0;
	[sflag:s0] =	ssyncadd.s32 $0xFFFF9C00  }
0x68: {  	[tilespmem:s26], [sflag:$0x1] =	stream.indirect.gather [hbm4b:s3+s24], $0x40, s5, s24, $0xb8;
	[tilespmem:$0x1A900] =	vst v63  }
0x69: {  	_ =	swait.ge [sflag:s1], $0x6400  }
0x6a: {  	[sflag:s1] =	ssyncset.done $0x0  }
0x6b: {  	s6 =	rddreg [dreg:$0x6];
	[sflag:s1] =	ssyncadd.s32 $0xFFFF9C00  }
0x6c: {  	[hbm4b:s6+s2] =	stream.linear.scatter [tilespmem:s29], [sflag:$0x2], $0x6400, $0x38;
	[tilespmem:$0x1A900] =	vst v63  }
0x6d: {  	_ =	swait.ge [sflag:s0], $0x6400  }
0x6e: {  	[sflag:s0] =	ssyncset.done $0x0  }
0x6f: {  	s7 =	simm.s32 $0x960;
	[sflag:s0] =	ssyncadd.s32 $0xFFFF9C00  }
0x70: {  	[tilespmem:s29], [sflag:$0x1] =	stream.indirect.gather [hbm4b:s3+s24], $0x40, s7, s24, $0xb8;
	[tilespmem:$0x1A900] =	vst v63  }
0x71: {  	_ =	swait.ge [sflag:s1], $0x6400  }
0x72: {  	[sflag:s1] =	ssyncset.done $0x0  }
0x73: {  	[sflag:s1] =	ssyncadd.s32 $0xFFFF9C00  }
0x74: {  	[hbm4b:s8+s2] =	stream.linear.scatter [tilespmem:s31], [sflag:$0x2], $0x6400, $0x38;
	[tilespmem:$0x1A900] =	vst v63  }
0x75: {  	_ =	swait.ge [sflag:s0], $0x6400  }
0x76: {  	[sflag:s0] =	ssyncset.done $0x0  }
0x77: {  	s30 =	simm.s32 $0xAF0;
	[sflag:s0] =	ssyncadd.s32 $0xFFFF9C00  }
0x78: {  	[tilespmem:s31], [sflag:$0x1] =	stream.indirect.gather [hbm4b:s3+s24], $0x40, s30, s24, $0xb8;
	[tilespmem:$0x1A900] =	vst v63  }
0x79: {  	_ =	swait.ge [sflag:s1], $0x6400  }
0x7a: {  	[sflag:s1] =	ssyncset.done $0x0  }
0x7b: {  	[sflag:s1] =	ssyncadd.s32 $0xFFFF9C00  }
0x7c: {  	[hbm4b:s9+s2] =	stream.linear.scatter [tilespmem:s25], [sflag:$0x2], $0x6400, $0x38;
	[tilespmem:$0x1A900] =	vst v63  }
0x7d: {  	_ =	swait.ge [sflag:s0], $0x6400  }
0x7e: {  	[sflag:s0] =	ssyncset.done $0x0  }
0x7f: {  	s5 =	simm.s32 $0xC80;
	[sflag:s0] =	ssyncadd.s32 $0xFFFF9C00  }
0x80: {  	[tilespmem:s25], [sflag:$0x1] =	stream.indirect.gather [hbm4b:s3+s24], $0x40, s5, s24, $0xb8;
	[tilespmem:$0x1A900] =	vst v63  }
0x81: {  	_ =	swait.ge [sflag:s1], $0x6400  }
0x82: {  	[sflag:s1] =	ssyncset.done $0x0  }
0x83: {  	[sflag:s1] =	ssyncadd.s32 $0xFFFF9C00  }
0x84: {  	[hbm4b:s10+s2] =	stream.linear.scatter [tilespmem:s26], [sflag:$0x2], $0x6400, $0x38;
	[tilespmem:$0x1A900] =	vst v63  }
0x85: {  	_ =	swait.ge [sflag:s0], $0x6400  }
0x86: {  	[sflag:s0] =	ssyncset.done $0x0  }
0x87: {  	s6 =	simm.s32 $0xE10;
	[sflag:s0] =	ssyncadd.s32 $0xFFFF9C00  }
0x88: {  	[tilespmem:s26], [sflag:$0x1] =	stream.indirect.gather [hbm4b:s3+s24], $0x40, s6, s24, $0xb8;
	[tilespmem:$0x1A900] =	vst v63  }
0x89: {  	_ =	swait.ge [sflag:s1], $0x6400  }
0x8a: {  	[sflag:s1] =	ssyncset.done $0x0  }
0x8b: {  	[sflag:s1] =	ssyncadd.s32 $0xFFFF9C00  }
0x8c: {  	[hbm4b:s11+s2] =	stream.linear.scatter [tilespmem:s29], [sflag:$0x2], $0x6400, $0x38;
	[tilespmem:$0x1A900] =	vst v63  }
0x8d: {  	_ =	swait.ge [sflag:s0], $0x6400  }
0x8e: {  	[sflag:s0] =	ssyncset.done $0x0  }
0x8f: {  	s7 =	simm.s32 $0xFA0;
	[sflag:s0] =	ssyncadd.s32 $0xFFFF9C00  }
0x90: {  	[tilespmem:s29], [sflag:$0x1] =	stream.indirect.gather [hbm4b:s3+s24], $0x40, s7, s24, $0xb8;
	[tilespmem:$0x1A900] =	vst v63  }
0x91: {  	_ =	swait.ge [sflag:s1], $0x6400  }
0x92: {  	[sflag:s1] =	ssyncset.done $0x0  }
0x93: {  	[sflag:s1] =	ssyncadd.s32 $0xFFFF9C00  }
0x94: {  	[hbm4b:s12+s2] =	stream.linear.scatter [tilespmem:s31], [sflag:$0x2], $0x6400, $0x38;
	[tilespmem:$0x1A900] =	vst v63  }
0x95: {  	_ =	swait.ge [sflag:s0], $0x6400  }
0x96: {  	[sflag:s0] =	ssyncset.done $0x0  }
0x97: {  	s30 =	simm.s32 $0x1130;
	[sflag:s0] =	ssyncadd.s32 $0xFFFF9C00  }
0x98: {  	[tilespmem:s31], [sflag:$0x1] =	stream.indirect.gather [hbm4b:s3+s24], $0x40, s30, s24, $0xb8;
	[tilespmem:$0x1A900] =	vst v63  }
0x99: {  	_ =	swait.ge [sflag:s1], $0x6400  }
0x9a: {  	[sflag:s1] =	ssyncset.done $0x0  }
0x9b: {  	[sflag:s1] =	ssyncadd.s32 $0xFFFF9C00  }
0x9c: {  	[hbm4b:s13+s2] =	stream.linear.scatter [tilespmem:s25], [sflag:$0x2], $0x6400, $0x38;
	[tilespmem:$0x1A900] =	vst v63  }
0x9d: {  	_ =	swait.ge [sflag:s0], $0x6400  }
0x9e: {  	[sflag:s0] =	ssyncset.done $0x0  }
0x9f: {  	s5 =	simm.s32 $0x12C0;
	[sflag:s0] =	ssyncadd.s32 $0xFFFF9C00  }
0xa0: {  	[tilespmem:s25], [sflag:$0x1] =	stream.indirect.gather [hbm4b:s3+s24], $0x40, s5, s24, $0xb8;
	[tilespmem:$0x1A900] =	vst v63  }
0xa1: {  	_ =	swait.ge [sflag:s1], $0x6400  }
0xa2: {  	[sflag:s1] =	ssyncset.done $0x0  }
0xa3: {  	[sflag:s1] =	ssyncadd.s32 $0xFFFF9C00  }
0xa4: {  	[hbm4b:s14+s2] =	stream.linear.scatter [tilespmem:s26], [sflag:$0x2], $0x6400, $0x38;
	[tilespmem:$0x1A900] =	vst v63  }
0xa5: {  	_ =	swait.ge [sflag:s0], $0x6400  }
0xa6: {  	[sflag:s0] =	ssyncset.done $0x0  }
0xa7: {  	s6 =	simm.s32 $0x1450;
	[sflag:s0] =	ssyncadd.s32 $0xFFFF9C00  }
0xa8: {  	[tilespmem:s26], [sflag:$0x1] =	stream.indirect.gather [hbm4b:s3+s24], $0x40, s6, s24, $0xb8;
	[tilespmem:$0x1A900] =	vst v63  }
0xa9: {  	_ =	swait.ge [sflag:s1], $0x6400  }
0xaa: {  	[sflag:s1] =	ssyncset.done $0x0  }
0xab: {  	[sflag:s1] =	ssyncadd.s32 $0xFFFF9C00  }
0xac: {  	[hbm4b:s15+s2] =	stream.linear.scatter [tilespmem:s29], [sflag:$0x2], $0x6400, $0x38;
	[tilespmem:$0x1A900] =	vst v63  }
0xad: {  	_ =	swait.ge [sflag:s0], $0x6400  }
0xae: {  	[sflag:s0] =	ssyncset.done $0x0  }
0xaf: {  	s7 =	simm.s32 $0x15E0;
	[sflag:s0] =	ssyncadd.s32 $0xFFFF9C00  }
0xb0: {  	[tilespmem:s29], [sflag:$0x1] =	stream.indirect.gather [hbm4b:s3+s24], $0x40, s7, s24, $0xb8;
	[tilespmem:$0x1A900] =	vst v63  }
0xb1: {  	_ =	swait.ge [sflag:s1], $0x6400  }
0xb2: {  	[sflag:s1] =	ssyncset.done $0x0  }
0xb3: {  	[sflag:s1] =	ssyncadd.s32 $0xFFFF9C00  }
0xb4: {  	[hbm4b:s16+s2] =	stream.linear.scatter [tilespmem:s31], [sflag:$0x2], $0x6400, $0x38;
	[tilespmem:$0x1A900] =	vst v63  }
0xb5: {  	_ =	swait.ge [sflag:s0], $0x6400  }
0xb6: {  	[sflag:s0] =	ssyncset.done $0x0  }
0xb7: {  	s30 =	simm.s32 $0x1770;
	[sflag:s0] =	ssyncadd.s32 $0xFFFF9C00  }
0xb8: {  	[tilespmem:s31], [sflag:$0x1] =	stream.indirect.gather [hbm4b:s3+s24], $0x40, s30, s24, $0xb8;
	[tilespmem:$0x1A900] =	vst v63  }
0xb9: {  	_ =	swait.ge [sflag:s1], $0x6400  }
0xba: {  	[sflag:s1] =	ssyncset.done $0x0  }
0xbb: {  	[sflag:s1] =	ssyncadd.s32 $0xFFFF9C00  }
0xbc: {  	[hbm4b:s17+s2] =	stream.linear.scatter [tilespmem:s25], [sflag:$0x2], $0x6400, $0x38;
	[tilespmem:$0x1A900] =	vst v63  }
0xbd: {  	_ =	swait.ge [sflag:s1], $0x6400  }
0xbe: {  	[sflag:s1] =	ssyncset.done $0x0  }
0xbf: {  	[sflag:s1] =	ssyncadd.s32 $0xFFFF9C00  }
0xc0: {  	[hbm4b:s18+s2] =	stream.linear.scatter [tilespmem:s26], [sflag:$0x2], $0x6400, $0x38;
	[tilespmem:$0x1A900] =	vst v63  }
0xc1: {  	_ =	swait.ge [sflag:s1], $0x6400  }
0xc2: {  	[sflag:s1] =	ssyncset.done $0x0  }
0xc3: {  	[sflag:s1] =	ssyncadd.s32 $0xFFFF9C00  }
0xc4: {  	[hbm4b:s19+s2] =	stream.linear.scatter [tilespmem:s29], [sflag:$0x2], $0x6400, $0x38;
	[tilespmem:$0x1A900] =	vst v63  }
0xc5: {  	_ =	swait.ge [sflag:s1], $0x6400  }
0xc6: {  	[sflag:s1] =	ssyncset.done $0x0  }
0xc7: {  	[sflag:s1] =	ssyncadd.s32 $0xFFFF9C00  }
0xc8: {  	[hbm4b:s20+s2] =	stream.linear.scatter [tilespmem:s31], [sflag:$0x2], $0x6400, $0x38;
	[tilespmem:$0x1A900] =	vst v63  }
0xc9: {  	_ =	swait.ge [sflag:s0], $0x6400  }
0xca: {  	[sflag:s0] =	ssyncset.done $0x0  }
0xcb: {  	[sflag:s0] =	ssyncadd.s32 $0xFFFF9C00  }
0xcc: {  	_ =	swait.ge [sflag:s0], $0x6400  }
0xcd: {  	[sflag:s0] =	ssyncset.done $0x0  }
0xce: {  	s28 =	sadd.s32 $0x1, s28;
	[sflag:s0] =	ssyncadd.s32 $0xFFFF9C00  }
0xcf: {  	p0 =	sne.s32 s28, s21;
	_ =	swait.ge [sflag:s0], $0x6400  }
.Ltmp1:
0xd0: {  	[sflag:s0] =	ssyncset.done $0x0;
	(pc) =	sbr.rel @p0 .LBB2_1-.Ltmp1, $4  }
0xd1: {  	[sflag:s0] =	ssyncadd.s32 $0xFFFF9C00  }
0xd2: {  	_ =	swait.ge [sflag:s0], $0x6400  }
0xd3: {  	[sflag:s0] =	ssyncset.done $0x0  }
0xd4: {  	[sflag:s0] =	ssyncadd.s32 $0xFFFF9C00  }
0xd5: {  	_ =	sfence.sel $0x180000  }
0xd6: {  	[bflag:$0x0] =	sbarrier.arrive $0xFFFF  }
0xd7: {  	_ =	strace $0x90000047  }
0xd8: {  	s0 =	stileid.u32;
	[bflag:$0x2] =	sbarrier.arrive $0xFFFF  }
0xd9: {  	p0 =	sne.s32 s0, $0x0;
	s0 =	rddreg [dreg:$0x2]  }
0xda: {  	s0 =	sadd.s32 @!p0 $0x100000, s0  }
0xdb: {  	[sflag:s0] =	ssyncadd.tile.s32 @!p0 $0x1;
	_ =	shalt  }
.Lfunc_end2:
_tile_overlayer_lowered:
.L_overlay_start_2:
0xdc: {  	(tag) =	ssettag $0x2  }
0xdd: {  	s0 =	rddreg [dreg:$0x0];
	s2 =	stileid.u32  }
0xde: {  	s1 =	rddreg [dreg:$0x1];
	p0 =	sne.s32 s2, $0x0  }
0xdf: {  	s3 =	rddreg [dreg:$0x2];
	[bflag:$0x3] =	sbarrier.arrive $0xFFFF;
	s2 =	simm.s32 @!p0 $0x1C03  }
0xe0: {  	[timem:s3], [sflag:s2] =	dma.local @!p0 [hbm:s0], s1  }
0xe1: {  	s0 =	simm.s32 @!p0 $0x3  }
0xe2: {  	_ =	swait.ge @!p0 [sflag:s0], s1  }
0xe3: {  	s1 =	ssub.s32 @!p0 $0x0, s1;
	[sflag:s0] =	ssyncset.done @!p0 $0x0  }
0xe4: {  	[sflag:s0] =	ssyncadd.s32 @!p0 s1  }
0xe5: {  	[bflag:$0x3] =	sbarrier.arrive $0xFFFF  }
0xe6: {  	_ =	shalt  }

// kernel: sparse-core-data-format-call.cloned.1.call-start
scs
called_computation_lowered:
.L_overlay_start_0:
0x0: {  	s2 =	sld [smem:$0x3FD9]  }
0x1: {  	s3 =	sld [smem:$0x3FFE];
	_ =	sdelay $0x1  }
0x2: {  	s1 =	srdreg.scid  }
0x3: {  	s0 =	sand.u32 $0x1, s1  }
0x4: {  	s18 =	sshll.u32 s0, $0xA;
	s2 =	sadd.s32 s3, s2  }
0x5: {  	s2 =	sadd.s32 s2, s18  }
0x6: {  	[smem:$0x3FC6] =	sst s2  }
0x7: {  	_ = 	snop  }
0x8: {  	s2 =	sld [smem:$0x3FD0];
	(tm) =	ssettm $0x1  }
0x9: {  	s19 =	sld [smem:$0x3FFB];
	_ =	sdelay $0x3  }
0xa: {  	_ =	strace s19  }
0xb: {  	s3 =	sld [smem:$0x3FFC];
	_ =	sdelay $0x3  }
0xc: {  	_ =	strace s3  }
0xd: {  	s3 =	sld [smem:$0x3FFD];
	_ =	sdelay $0x3  }
0xe: {  	_ =	strace s3  }
0xf: {  	_ =	strace $0x8FFFFFFF  }
0x10: {  	s20 =	sld [smem:$0x3FDB];
	_ =	sdelay $0x1  }
0x11: {  	s4 =	simm.s32 $_scs_section_size  }
0x12: {  	s5 =	simm.s32 $_size__tile_overlayer_lowered;
	s6 =	simm.s32 $_tile_overlayer_lowered  }
0x13: {  	s23 =	simm.s32 $0x1BFF;
	s22 =	sshll.u32 s6, $0x1;
	s3 =	sadd.s32 s4, s20  }
0x14: {  	s7 =	simm.s32 $0x0;
	s21 =	sshll.u32 s5, $0x1;
	s5 =	sadd.s32 s22, s3  }
0x15: {  	[timem:s7], [sflag:s23] =	dma.local [hbm:s5], s21  }
0x16: {  	_ =	swait.ge [sflag:s23], s21  }
0x17: {  	s4 =	ssub.s32 $0x0, s21;
	[sflag:s23] =	ssyncset.done $0x0  }
0x18: {  	[sflag:s23] =	ssyncadd.s32 s4;
	_ =	sdelay $0x1  }
0x19: {  	s24 =	simm.s32 $0x1B8B  }
0x1a: {  	_ =	swait.ge [sflag:s24], $0x1  }
0x1b: {  	[sflag:s24] =	ssyncset.done $0x0  }
0x1c: {  	s26 =	simm.s32 $0x1B8E;
	s25 =	sld [smem:$0x3FFE];
	[sflag:s24] =	ssyncadd.s32 $0xFFFFFFFF  }
0x1d: {  	s27 =	simm.s32 $execute0_lowered;
	[smem:$0x3FD2] =	sst s26  }
0x1e: {  	s5 =	sshll.u32 s27, $0x1;
	_ =	strace $0x80000049;
	[dreg:$0x1] =	wrdreg $0xFFFFFFFF  }
0x1f: {  	s28 =	simm.s32 $_size_execute0_lowered;
	s3 =	sadd.s32 s3, s5;
	[dreg:$0x0] =	wrdreg $0x0  }
0x20: {  	s5 =	sshll.u32 s28, $0x1;
	[dreg:$0x2] =	wrdreg s3  }
0x21: {  	[dreg:$0x3] =	wrdreg s5  }
0x22: {  	[dreg:$0x4] =	wrdreg $0xC0  }
0x23: {  	_ =	task [dreg:s7], $0x5FFFF  }
0x24: {  	[dreg:$0x1] =	wrdreg $0xFFFFFFFF  }
0x25: {  	[dreg:$0x0] =	wrdreg $0x60  }
0x26: {  	[dreg:$0x2] =	wrdreg s25  }
0x27: {  	[dreg:$0x3] =	wrdreg s2  }
0x28: {  	[dreg:$0x4] =	wrdreg $0x9  }
0x29: {  	_ =	task.clear_ibuf [dreg:s7], $0x5FFFF;
	_ =	strace $0x90000049  }
0x2a: {  	s29 =	simm.s32 $0x9;
	_ =	strace $0x8000004B  }
0x2b: {  	_ =	swait.ge [sflag:s29], $0x1  }
0x2c: {  	[sflag:s29] =	ssyncadd.s32 $0xFFFFFFFF  }
0x2d: {  	_ =	strace $0x9000004B  }
0x2e: {  	_ =	sfence  }
0x2f: {  	s30 =	sld [smem:$0x0];
	_ =	sdelay $0x2  }
0x30: {  	s31 =	sshll.u32 s1, $0xD;
	s1 =	sshrl.u32 s1, $0x2  }
0x31: {  	s3 =	sand.u32 $0x4000, s31;
	s1 =	sadd.s32 s1, s30  }
0x32: {  	s0 =	sor.u32 s3, s0;
	s1 =	sshll.u32 s1, $0x11  }
0x33: {  	s0 =	sor.u32 s1, s0  }
0x34: {  	s0 =	sadd.s32 $0x8F2B, s0  }
0x35: {  	[sflag:s0] =	ssyncadd.remote.s32 $0x1  }
0x36: {  	_ =	sfence.sel $0xFFFF  }
0x37: {  	[dreg:$0x0] =	wrdreg $0xFFFFFFFF;
	(pc) =	sbr.abs _section_cstart, $3  }
0x38: {  	[dreg:$0x1] =	wrdreg $0xFFFFFFFF  }
0x39: {  	_ =	task.clear_ibuf [dreg:s7], $0x2FFFF;
	_ =	strace $0x9FFFFFFF  }
0x3a: {  	(tm) =	ssettm $0x7FFFFFFF  }
0x3b: {  	_ =	shalt  }
tec
execute0_lowered:
.L_overlay_start_1:
0x0: {  	(tag) =	ssettag $0x1  }
0x1: {  	s0 =	stileid.u32;
	s6 =	rddreg [dreg:$0x0]  }
0x2: {  	s2 =	rddreg [dreg:$0x1];
	s5 =	srdreg.scid  }
0x3: {  	s31 =	simm.s32 $0x2;
	s13 =	simm.s32 $0x0;
	s1 =	sshll.u32 s0, $0x7  }
0x4: {  	s14 =	simm.s32 $0x0;
	s12 =	simm.s32 $0x0;
	s3 =	sand.u32 $0x380, s1  }
0x5: {  	s5 =	sshll.u32 s5, $0x4;
	s6 =	sadd.s32 $0xA00, s6;
	s4 =	ssub.s32 $0x400, s3  }
0x6: {  	s1 =	rddreg [dreg:$0x2];
	_ =	strace $0x8000004A;
	s7 =	sand.u32 $0x380, s4  }
0x7: {  	s5 =	sand.u32 $0x10, s5;
	p0 =	sne.s32 s7, $0x0;
	s7 =	simm.s32 $0x1  }
.Ltmp0:
0x8: {  	s8 =	sshrl.u32 s4, $0xA;
	s7 =	simm.s32 @!p0 $0x0;
	(pc) =	sbr.rel .LBB1_1-.Ltmp0, $4  }
0x9: {  	s9 =	sor.u32 s0, s5;
	s4 =	simm.s32 $0x1;
	s30 =	sadd.s32 s7, s8  }
0xa: {  	s11 =	smov.u32 s3;
	[sflag:s4] =	ssyncpa.u1 $0x0;
	s5 =	smul.u32 $0x32, s30  }
0xb: {  	[sflag:s31] =	ssyncpa.u1 $0x0;
	p0 =	por $0x0, $0x0;
	s7 =	sshrl.u32 s9, $0x3  }
0xc: {  	s9 =	simm.s32 $0x2000;
	s10 =	smov.u32 s7;
	s8 =	sor.u32 $0x1, s5  }
.LBB1_4:
0xd: {  	s17 =	sand.u32 $0x1F80, s14;
	s13 =	sshll.u32 s13, $0xD  }
0xe: {  	[tilespmem:s16+$0x810 ss:$0x81] =	vst.msk $0xffff, v2;
	s18 =	sshrl.u32 s14, $0x3;
	s31 =	sand.u32 $0x7, s14;
	s17 =	sadd.s32 s2, s17  }
0xf: {  	[tilespmem:s16+$0x1020 ss:$0x81] =	vst.msk $0xffff, v0;
	s18 =	sand.u32 $0xF, s18;
	s14 =	sshll.u32 s31, $0x12;
	s13 =	sadd.s32 s13, s17  }
0x10: {  	[tilespmem:s16+$0x0 ss:$0x81] =	vst.msk $0xffff, v1;
	s14 =	sor.u32 $0x400, s14;
	s13 =	sadd.s32 s18, s13  }
0x11: {  	[hbm4b:s13+s14] =	stream.strided.scatter [tilespmem:s15], [sflag:$0x2], $0x2000, s9, s14, $0x20;
	[tilespmem:$0x8080] =	vst v63  }
.LBB1_5:
0x12: {  	s15 =	sadd.s32 $0x4, s10  }
0x13: {  	s13 =	sadd.s32 $0x400, s11;
	s17 =	smov.u32 s11;
	p2 =	sgt.s32 s15, $0xC7  }
0x14: {  	s17 =	smov.u32 @p2 s13  }
0x15: {  	s15 =	smov.u32 @p2 s7;
	p2 =	sgt.s32 s17, $0x3FF  }
0x16: {  	s17 =	smov.u32 @p2 s3;
	p2 =	sne.s32 s12, s8  }
.Ltmp1:
0x17: {  	p1 =	slt.u32 s12, $0x2;
	(pc) =	sbr.rel @!p2 .LBB1_6-.Ltmp1, $4  }
0x18: {  	s16 =	simm.s32 @!p1 $0x2  }
0x19: {  	s14 =	smov.u32 s11;
	p0 =	por !p0, !p0;
	_ =	swait.ge @!p1 [sflag:s16], $0x2000  }
0x1a: {  	s13 =	smov.u32 s10;
	[sflag:s16] =	ssyncset.done @!p1 $0x0;
	s10 =	smov.u32 s15  }
0x1b: {  	s12 =	sadd.s32 $0x1, s12;
	[sflag:s16] =	ssyncadd.s32 @!p1 $0xFFFFE000;
	s11 =	smov.u32 s17  }
.LBB1_1:
0x1c: {  	p1 =	sge.u32 s12, s5  }
0x1d: {  	s15 =	sand.u32 @!p1 $0x1FFFFFF, s10  }
0x1e: {  	s16 =	smulhi.u32 @!p1 $0x147AE15, s15;
	_ =	sdelay $0x1  }
0x1f: {  	s16 =	smul.u32 @!p1 $0xC8, s16  }
0x20: {  	s17 =	sxor.u32 @!p1 $0xFFFFFFFF, s12;
	s18 =	smul.u32 @!p1 $0xC80, s11  }
0x21: {  	s31 =	sadd.s32 $0xFFFFFFFF, s12;
	s17 =	sshll.u32 @!p1 s17, $0xD;
	s15 =	ssub.s32 @!p1 s15, s16  }
0x22: {  	s16 =	sand.u32 @!p1 $0x2000, s17;
	s17 =	sadd.s32 @!p1 s6, s18;
	s15 =	sshll.u32 @!p1 s15, $0x4  }
0x23: {  	s18 =	simm.s32 @!p1 $0x6400;
	s15 =	sadd.s32 @!p1 s15, s17;
	s17 =	simm.s32 @!p1 $0x40  }
0x24: {  	[tilespmem:s16], [sflag:$0x1] =	stream.strided.gather @!p1 [hbm4b:s15+s17], $0x2000, s18, s17, $0x38;
	[tilespmem:$0x8080] =	vst v63  }
0x25: {  	p1 =	sge.u32 s31, s5  }
.Ltmp2:
0x26: {  	_ = 	snop;
	(pc) =	sbr.rel @p1 .LBB1_5-.Ltmp2, $1  }
0x27: {  	_ =	sdelay $0x3  }
0x28: {  	s15 =	simm.s32 $0x1  }
0x29: {  	_ =	swait.ge [sflag:s4], $0x2000;
	s15 =	simm.s32 @!p0 $0x0  }
0x2a: {  	[sflag:s4] =	ssyncset.done $0x0;
	s16 =	sshll.u32 s15, $0xD  }
0x2b: {  	[sflag:s4] =	ssyncadd.s32 $0xFFFFE000;
	s19 =	sor.u32 $0x20, s16  }
0x2c: {  	s15 =	smul.u32 $0x8100, s15;
	v3 =	vld [tilespmem:s19+$0x10]  }
0x2d: {  	s30 =	sand.u32 $0x1, s12;
	v2 =	vld [tilespmem:s19+$0xFFFFFFF0]  }
0x2e: {  	s16 =	smul.u32 $0x8100, s30;
	s15 =	sshrl.u32 s15, $0x2;
	v0 =	vld [tilespmem:s19+$0x0]  }
0x2f: {  	v1 =	vld [tilespmem:s19+$0xFFFFFFE0];
	s17 =	sor.u32 $0x4000, s15  }
0x30: {  	s31 =	sshrl.u32 s16, $0x2;
	s16 =	sadd.s32 $0x0, s17  }
0x31: {  	s18 =	simm.s32 $0x4;
	s19 =	sadd.s32 $0x40, s19;
	s15 =	sor.u32 $0x4000, s31;
	[tilespmem:s16+$0x1830 ss:$0x81] =	vst.msk $0xffff, v3  }
.LBB1_3:
0x32: {  	v3 =	vld [tilespmem:s19+$0x10];
	p1 =	sne.s32 s18, $0x1FC;
	[tilespmem:s16+$0x810 ss:$0x81] =	vst.msk $0xffff, v2;
	s20 =	smov.u32 s18;
	s18 =	sadd.s32 $0x4, s18  }
.Ltmp3:
0x33: {  	v2 =	vld [tilespmem:s19+$0xFFFFFFF0];
	[tilespmem:s16+$0x1020 ss:$0x81] =	vst.msk $0xffff, v0;
	(pc) =	sbr.rel @p1 .LBB1_3-.Ltmp3, $4  }
0x34: {  	v0 =	vld [tilespmem:s19+$0x0];
	[tilespmem:s16+$0x0 ss:$0x81] =	vst.msk $0xffff, v1  }
0x35: {  	s16 =	sshra.s32 s20, $0x2;
	v1 =	vld [tilespmem:s19+$0xFFFFFFE0]  }
0x36: {  	s16 =	sadd.s32 s16, s17  }
0x37: {  	s19 =	sadd.s32 $0x40, s19;
	[tilespmem:s16+$0x1830 ss:$0x81] =	vst.msk $0xffff, v3  }
.Ltmp4:
0x38: {  	_ = 	snop;
	(pc) =	sbr.rel .LBB1_4-.Ltmp4, $1  }
0x39: {  	_ =	sdelay $0x3  }
.LBB1_6:
0x3a: {  	_ =	sfence.sel $0x180000  }
0x3b: {  	s2 =	simm.s32 $0x1;
	[bflag:$0x0] =	sbarrier.arrive $0xFFFF  }
0x3c: {  	s31 =	simm.s32 $0x2;
	[sflag:s2] =	ssyncpa.u1 $0x1  }
0x3d: {  	[sflag:s31] =	ssyncpa.u1 $0x1  }
0x3e: {  	p0 =	sne.s32 s0, $0x0;
	_ =	strace $0x9000004A  }
0x3f: {  	s0 =	sadd.s32 @!p0 $0x100000, s1;
	[bflag:$0x2] =	sbarrier.arrive $0xFFFF  }
0x40: {  	[sflag:s0] =	ssyncadd.tile.s32 @!p0 $0x1;
	_ =	shalt  }
.Lfunc_end1:
_tile_overlayer_lowered:
.L_overlay_start_2:
0x41: {  	(tag) =	ssettag $0x2  }
0x42: {  	s0 =	rddreg [dreg:$0x0];
	s2 =	stileid.u32  }
0x43: {  	s1 =	rddreg [dreg:$0x1];
	p0 =	sne.s32 s2, $0x0  }
0x44: {  	s3 =	rddreg [dreg:$0x2];
	[bflag:$0x3] =	sbarrier.arrive $0xFFFF;
	s2 =	simm.s32 @!p0 $0x1C01  }
0x45: {  	[timem:s3], [sflag:s2] =	dma.local @!p0 [hbm:s0], s1  }
0x46: {  	s0 =	simm.s32 @!p0 $0x1  }
0x47: {  	_ =	swait.ge @!p0 [sflag:s0], s1  }
0x48: {  	s1 =	ssub.s32 @!p0 $0x0, s1;
	[sflag:s0] =	ssyncset.done @!p0 $0x0  }
0x49: {  	[sflag:s0] =	ssyncadd.s32 @!p0 s1  }
0x4a: {  	[bflag:$0x3] =	sbarrier.arrive $0xFFFF  }
0x4b: {  	_ =	shalt  }

</sc_bundles>
